<compile_context>
chip_gen: v7x
topology: tpu7x:2x2x1
jax: 0.10.2.dev20260603
libtpu: 0.0.44.dev20260713+nightly
codegen_flags: <defaults>
</compile_context>

<pallas_src>
import dataclasses
import functools

import jax
import jax.numpy as jnp
from jax import lax
from jax.experimental import pallas as pl
from jax.experimental.pallas import tpu as pltpu
from jax.experimental.pallas import tpu_sc as plsc

N_USERS = 25000
N_ITEMS = 25000
N_TOTAL = 50000
EMB = 64
FEAT_COLS = N_TOTAL + 2
N_LAYERS = 3
E = 800000
BATCH = 4096

NC = 2
NS = 16
BLK = 128
NB = 400
E_PAD = NC * 0 + NS * NB * BLK
HALF = 25000
HPAD = 25008
NP = 2 * HPAD
STRIPE = HPAD // NS
DEG_ROWS = 3200
DEG_CHUNK = 3200
SENT = N_TOTAL + 16

_mesh = plsc.VectorSubcoreMesh(core_axis_name="c", subcore_axis_name="s")

_cp = pltpu.CompilerParams(needs_layout_passes=False,
                           use_tc_tiling_on_sc=False)


def _f32(shape):
    return jax.ShapeDtypeStruct(shape, jnp.float32)


@jax.jit
def _degrees(rows_feat, rows_adj, ident, zeros_deg):
    @functools.partial(
        pl.kernel,
        out_type=(_f32((DEG_ROWS, 16)), _f32((DEG_ROWS, 16))),
        mesh=_mesh,
        compiler_params=_cp,
        scratch_types=[
            pltpu.VMEM((DEG_ROWS, 16), jnp.float32),
            pltpu.VMEM((DEG_ROWS, 16), jnp.float32),
            pltpu.VMEM((DEG_CHUNK,), jnp.int32),
            pltpu.VMEM((25, BLK), jnp.int32),
            pltpu.VMEM_SHARED((DEG_ROWS, 16), jnp.float32),
            pltpu.VMEM_SHARED((DEG_ROWS, 16), jnp.float32),
        ],
    )
    def k(rf_hbm, ra_hbm, id_hbm, z_hbm, outf_hbm, outa_hbm,
          locf, loca, idxv, identv, accf, acca):
        c = lax.axis_index("c")
        s = lax.axis_index("s")
        ones = jnp.full((16,), 1.0, jnp.float32)

        pltpu.sync_copy(z_hbm, locf)
        pltpu.sync_copy(z_hbm, loca)
        pltpu.sync_copy(id_hbm, identv)
        pltpu.sync_copy(z_hbm.at[pl.ds(s * (DEG_ROWS // NS), DEG_ROWS // NS)],
                        accf.at[pl.ds(s * (DEG_ROWS // NS), DEG_ROWS // NS)])
        pltpu.sync_copy(z_hbm.at[pl.ds(s * (DEG_ROWS // NS), DEG_ROWS // NS)],
                        acca.at[pl.ds(s * (DEG_ROWS // NS), DEG_ROWS // NS)])

        edges_per_sub = E_PAD // NS
        n_chunks = edges_per_sub // DEG_CHUNK

        def scan_table(rows_hbm, loc):
            @pl.loop(0, n_chunks)
            def _(t):
                base = s * edges_per_sub + t * DEG_CHUNK
                pltpu.sync_copy(rows_hbm.at[pl.ds(base, DEG_CHUNK)], idxv)

                @pl.loop(0, DEG_CHUNK // 16)
                def _(u):
                    v = idxv[pl.ds(u * 16, 16)]
                    hi = lax.shift_right_logical(v, 4)
                    lo = lax.bitwise_and(v, jnp.full((16,), 15, jnp.int32))
                    plsc.addupdate_scatter(loc, [hi, lo], ones)

        scan_table(rf_hbm, locf)
        scan_table(ra_hbm, loca)

        plsc.subcore_barrier()
        for kk in range(DEG_ROWS // BLK):
            pltpu.sync_copy(locf.at[pl.ds(kk * BLK, BLK)],
                            accf.at[identv.at[kk]], add=True)
            pltpu.sync_copy(loca.at[pl.ds(kk * BLK, BLK)],
                            acca.at[identv.at[kk]], add=True)
        plsc.subcore_barrier()

        rpw = DEG_ROWS // NS
        pltpu.sync_copy(accf.at[pl.ds(s * rpw, rpw)],
                        outf_hbm.at[pl.ds(s * rpw, rpw)])
        pltpu.sync_copy(acca.at[pl.ds(s * rpw, rpw)],
                        outa_hbm.at[pl.ds(s * rpw, rpw)])

    return k(rows_feat, rows_adj, ident, zeros_deg)


KB = 10
NCHUNK = NB // KB
NBLK_TOT = E_PAD // BLK


def _make_agg(vt):
    @jax.jit
    def agg(table, cols, ldst, zeros_half, params):
        @functools.partial(
            pl.kernel,
            out_type=_f32((NP, EMB)),
            mesh=_mesh,
            compiler_params=_cp,
            scratch_types=[
                pltpu.VMEM((KB, BLK), jnp.int32),
                pltpu.VMEM((KB, BLK), jnp.int32),
                pltpu.VMEM((KB, BLK), jnp.int32),
                pltpu.VMEM((KB, BLK), jnp.int32),
                pltpu.VMEM((16,), jnp.int32),
                pltpu.VMEM((BLK, EMB), jnp.float32),
                pltpu.VMEM((BLK, EMB), jnp.float32),
                pltpu.VMEM((BLK, EMB), jnp.float32),
                pltpu.VMEM_SHARED((HPAD, EMB), jnp.float32),
                pltpu.SemaphoreType.DMA,
                pltpu.SemaphoreType.DMA,
                pltpu.SemaphoreType.DMA,
                pltpu.SemaphoreType.DMA,
                pltpu.SemaphoreType.DMA,
            ],
        )
        def k(tab_hbm, cols_hbm, ldst_hbm, z_hbm, par_hbm, out_hbm,
              colv0, colv1, ldstv0, ldstv1, pv, rbuf0, rbuf1, rbuf2, acc,
              si0, si1, sg0, sg1, sg2):
            c = lax.axis_index("c")
            s = lax.axis_index("s")
            colv = (colv0, colv1)
            ldstv = (ldstv0, ldstv1)
            rbuf = (rbuf0, rbuf1, rbuf2)
            semi = (si0, si1)
            semg = (sg0, sg1, sg2)

            pltpu.sync_copy(z_hbm.at[pl.ds(s * STRIPE, STRIPE)],
                            acc.at[pl.ds(s * STRIPE, STRIPE)])
            pltpu.sync_copy(par_hbm, pv)
            pvv = pv[...]
            start = jnp.where(c == 0, pvv[0], pvv[2])
            nch = jnp.where(c == 0, pvv[1], pvv[3])
            cnt = jnp.maximum(0, (nch - s + NS - 1) // NS)

            def idx_args(j, slot):
                blk0 = (start + s + NS * j) * KB
                return ((cols_hbm.at[pl.ds(blk0, KB)],
                         colv[slot], semi[slot]),
                        (ldst_hbm.at[pl.ds(c * NBLK_TOT + blk0, KB)],
                         ldstv[slot], semi[slot]))

            def idx_load(k_, slot):
                a, b = idx_args(k_, slot)
                pltpu.async_copy(*a)
                pltpu.async_copy(*b)

            def idx_wait(k_, slot):
                a, b = idx_args(k_, slot)
                pltpu.make_async_copy(*a).wait()
                pltpu.make_async_copy(*b).wait()

            def g_args(k_, slot, kb, rs):
                return (tab_hbm.at[colv[slot].at[kb]],
                        rbuf[rs], semg[rs])

            @pl.when(cnt > 0)
            def _():
                idx_load(0, 0)

            @pl.when(cnt > 1)
            def _():
                idx_load(1, 1)

            plsc.subcore_barrier()

            @pl.loop(0, (cnt + 1) // 2)
            def _(kp):
                for par in (0, 1):
                    j = kp * 2 + par

                    @pl.when(j < cnt)
                    def _():
                        idx_wait(j, par)
                        pltpu.async_copy(*g_args(j, par, 0, 0))
                        pltpu.async_copy(*g_args(j, par, 1, 1))
                        for kb in range(KB):
                            rs = kb % 3
                            if kb + 2 < KB:
                                pltpu.async_copy(
                                    *g_args(j, par, kb + 2, (kb + 2) % 3))
                            pltpu.make_async_copy(
                                *g_args(j, par, kb, rs)).wait()
                            pltpu.sync_copy(rbuf[rs],
                                            acc.at[ldstv[par].at[kb]],
                                            add=True)

                        @pl.when(j + 2 < cnt)
                        def _():
                            idx_load(j + 2, par)

            plsc.subcore_barrier()
            pltpu.sync_copy(
                acc.at[pl.ds(s * STRIPE, STRIPE)],
                out_hbm.at[pl.ds(c * HPAD + s * STRIPE, STRIPE)])

        return k(table, cols, ldst, zeros_half, params)

    return agg


_agg_feat = _make_agg(FEAT_COLS)
_agg_adj = _make_agg(NP)


@jax.jit
def _batch_gather(table, bidx):
    NW = NC * NS

    @functools.partial(
        pl.kernel,
        out_type=(_f32((BATCH, EMB)), _f32((BATCH, EMB)), _f32((BATCH, EMB))),
        mesh=_mesh,
        compiler_params=_cp,
        scratch_types=[
            pltpu.VMEM((3, BLK), jnp.int32),
            pltpu.VMEM((BLK, EMB), jnp.float32),
            pltpu.SemaphoreType.DMA,
        ],
    )
    def k(tab_hbm, idx_hbm, o0_hbm, o1_hbm, o2_hbm, idxv, rbuf, sem):
        c = lax.axis_index("c")
        s = lax.axis_index("s")
        wid = s * NC + c
        outs = (o0_hbm, o1_hbm, o2_hbm)
        for j in range(3):
            pltpu.sync_copy(idx_hbm.at[pl.ds(wid + 32 * j, 1)],
                            idxv.at[pl.ds(j, 1)])
        for j in range(3):
            pltpu.async_copy(tab_hbm.at[idxv.at[j]], rbuf, sem).wait()
            pltpu.sync_copy(rbuf, outs[j].at[pl.ds(wid * BLK, BLK)])

    return k(table, bidx)


@jax.jit
def _l2_norms(u, p, n):
    def body(u_ref, p_ref, n_ref, o_ref):
        uu = u_ref[...]
        pp = p_ref[...]
        nn = n_ref[...]
        o_ref[...] = jnp.sum(uu * uu + pp * pp + nn * nn, axis=1,
                             keepdims=True)

    out = pl.pallas_call(body, out_shape=_f32((BATCH, 1)))(u, p, n)
    return out[:, 0]


def _pad_half_layout(v):
    return jnp.pad(v.reshape(2, HALF), ((0, 0), (0, HPAD - HALF))).reshape(-1)


def _ldst_both(rows):
    l0 = jnp.where(rows < HALF, rows, HALF)
    r1 = rows - HALF
    l1 = jnp.where((r1 >= 0) & (r1 < HALF), r1, HALF)
    return jnp.stack([l0, l1]).reshape(2, E_PAD // BLK, BLK)


@jax.jit
def kernel(embedding_weight, feat_row, feat_col, adj_row, adj_col,
           users, pos_items, neg_items):
    i32 = jnp.int32
    pad_n = E_PAD - E
    rows_f = jnp.concatenate([feat_row, jnp.full((pad_n,), SENT, i32)])
    rows_a = jnp.concatenate([adj_row, jnp.full((pad_n,), SENT, i32)])
    cols_f = jnp.concatenate(
        [feat_col, jnp.zeros((pad_n,), i32)]).reshape(NBLK_TOT, BLK)
    ldst_f = _ldst_both(rows_f).reshape(2 * NBLK_TOT, BLK)

    adj_col_p = adj_col + 8 * (adj_col >= HALF).astype(i32)
    key = (adj_row >= HALF).astype(i32)
    n0 = jnp.int32(E) - jnp.sum(key, dtype=i32)
    _, rows_s, cols_s = lax.sort((key, adj_row, adj_col_p), num_keys=1,
                                 is_stable=True)
    rows_as = jnp.concatenate([rows_s, jnp.full((pad_n,), SENT, i32)])
    cols_a = jnp.concatenate(
        [cols_s, jnp.zeros((pad_n,), i32)]).reshape(NBLK_TOT, BLK)
    ldst_a = _ldst_both(rows_as).reshape(2 * NBLK_TOT, BLK)

    EPC = KB * BLK
    NCH_TOT = NBLK_TOT // KB
    c0n = (n0 + EPC - 1) // EPC
    c1s = n0 // EPC
    params_adj = (jnp.zeros((16,), i32).at[1].set(c0n)
                  .at[2].set(c1s).at[3].set(NCH_TOT - c1s))
    params_feat = jnp.zeros((16,), i32).at[1].set(NCH_TOT).at[3].set(NCH_TOT)

    ident = jnp.arange(DEG_ROWS, dtype=i32).reshape(DEG_ROWS // BLK, BLK)
    zeros_deg = jnp.zeros((DEG_ROWS, 16), jnp.float32)
    zeros_half = jnp.zeros((HPAD, EMB), jnp.float32)

    degf2, dega2 = _degrees(rows_f, rows_a, ident, zeros_deg)
    deg_f = degf2.reshape(-1)[:N_TOTAL]
    deg_a = dega2.reshape(-1)[:N_TOTAL]

    x_raw = _agg_feat(embedding_weight, cols_f, ldst_f, zeros_half,
                      params_feat)
    f_feat = _pad_half_layout(jnp.where(deg_f > 0, 1.0 / deg_f, 0.0))
    x = x_raw * f_feat[:, None]

    g_a = _pad_half_layout(
        jnp.where(deg_a > 0, 1.0 / jnp.sqrt(deg_a), 0.0))
    w_a = _pad_half_layout((deg_a == 0).astype(jnp.float32))

    def run_layers(x0, corrected):
        rep = x0
        h = x0
        for _ in range(N_LAYERS):
            s_raw = _agg_adj(h * g_a[:, None], cols_a, ldst_a, zeros_half,
                             params_adj)
            h_new = s_raw * g_a[:, None]
            if corrected:
                h_new = h_new + _agg_adj(h * w_a[:, None], cols_a, ldst_a,
                                         zeros_half, params_adj)
            h = h_new
            rep = rep + h
        return rep

    rep_sum = lax.cond(jnp.any(deg_a == 0),
                       lambda x0: run_layers(x0, True),
                       lambda x0: run_layers(x0, False),
                       x)
    final_rep = rep_sum * 0.25

    upos = users
    ppos = HPAD + pos_items
    npos = HPAD + neg_items
    bidx = jnp.concatenate([upos, ppos, npos]).reshape(
        (3 * BATCH) // BLK, BLK)
    users_r, pos_items_r, neg_items_r = _batch_gather(final_rep, bidx)
    l2_norm_sq = _l2_norms(users_r, pos_items_r, neg_items_r)
    return users_r, pos_items_r, neg_items_r, l2_norm_sq

# --- scband reference (transcript-rebuilt; emitter-appended) ---
"""Pipeline reference for scband-igcn-14714557956429 (READ-ONLY COPY).

The authoritative reference and input builder live on the scoring server;
editing this copy changes nothing except your own understanding.
"""

import jax, jax.numpy as jnp
import numpy as np

N_USERS = 25000
N_ITEMS = 25000
N_NORM_USERS = 25000
EMBED = 64
N_LAYERS = 3
N_TOTAL = N_USERS + N_ITEMS              # adj_mat is (N_TOTAL, N_TOTAL)
FEAT_COLS = N_NORM_USERS + N_ITEMS + 2   # feat_mat is (N_TOTAL, FEAT_COLS)
MAX_FEAT = max(N_TOTAL, FEAT_COLS)
E_FEAT = 800000
E_ADJ = 800000
BATCH = 4096


def setup_inputs(seed: int = 0) -> dict:
    key = jax.random.key(seed)
    ks = jax.random.split(key, 8)
    embedding_weight = jax.random.normal(ks[0], (FEAT_COLS, EMBED), dtype=jnp.float32) * 0.1
    feat_row = jax.random.randint(ks[1], (E_FEAT,), 0, N_TOTAL, dtype=jnp.int32)
    feat_col = jax.random.randint(ks[2], (E_FEAT,), 0, FEAT_COLS, dtype=jnp.int32)
    adj_row = jax.random.randint(ks[3], (E_ADJ,), 0, N_TOTAL, dtype=jnp.int32)
    adj_col = jax.random.randint(ks[4], (E_ADJ,), 0, N_TOTAL, dtype=jnp.int32)
    users = jax.random.randint(ks[5], (BATCH,), 0, N_USERS, dtype=jnp.int32)
    pos_items = jax.random.randint(ks[6], (BATCH,), 0, N_ITEMS, dtype=jnp.int32)
    neg_items = jax.random.randint(ks[7], (BATCH,), 0, N_ITEMS, dtype=jnp.int32)
    return {
        'embedding_weight': embedding_weight,
        'feat_row': feat_row, 'feat_col': feat_col,
        'adj_row': adj_row, 'adj_col': adj_col,
        'users': users, 'pos_items': pos_items, 'neg_items': neg_items,
    }


def reference(embedding_weight, feat_row, feat_col, adj_row, adj_col, users, pos_items, neg_items):
    # row_degree of TorchSparseMat = number of nnz entries per row (values are all 1.0)
    feat_deg = jnp.bincount(feat_row, length=N_TOTAL).astype(jnp.float32)
    adj_deg = jnp.bincount(adj_row, length=N_TOTAL).astype(jnp.float32)

    # inductive_rep_layer: pad embedding to MAX_FEAT rows (torch.empty -> zeros here),
    # gspmm 'mul','sum': x[row] += padded[col] * (1 / feat_deg[row]) per edge
    padding = jnp.zeros((MAX_FEAT - FEAT_COLS, EMBED), dtype=jnp.float32)
    padded = jnp.concatenate([embedding_weight, padding], axis=0)
    feat_vals = jnp.power(feat_deg[feat_row], -1.0)
    msgs = padded[feat_col] * feat_vals[:, None]
    x = jax.ops.segment_sum(msgs, feat_row, num_segments=MAX_FEAT)
    x = x[:N_TOTAL, :]

    # get_rep: symmetric-normalized propagation on adj graph
    adj_vals = jnp.power(adj_deg[adj_row], -0.5) * jnp.power(adj_deg[adj_col], -0.5)
    adj_vals = jnp.where(jnp.isinf(adj_vals), 1.0, adj_vals)
    all_layer_rep = [x]
    h = x
    for _ in range(N_LAYERS):
        h = jax.ops.segment_sum(h[adj_col] * adj_vals[:, None], adj_row, num_segments=N_TOTAL)
        all_layer_rep.append(h)
    final_rep = jnp.mean(jnp.stack(all_layer_rep, axis=0), axis=0)

    # bpr_forward
    users_r = final_rep[users, :]
    pos_items_r = final_rep[N_USERS + pos_items, :]
    neg_items_r = final_rep[N_USERS + neg_items, :]
    l2_norm_sq = (jnp.linalg.norm(users_r, ord=2, axis=1) ** 2
                  + jnp.linalg.norm(pos_items_r, ord=2, axis=1) ** 2
                  + jnp.linalg.norm(neg_items_r, ord=2, axis=1) ** 2)
    return users_r, pos_items_r, neg_items_r, l2_norm_sq

if __name__ == "__main__":
    import jax
    _d = setup_inputs()
    print(jax.jit(kernel)(*tuple(_d.values())))

</pallas_src>

<mosaic_0001>
#map = affine_map<(d0, d1) -> (0)>
#map1 = affine_map<(d0, d1) -> (0, 0)>
module attributes {stable_mosaic.version = 14 : i64} {
  func.func @k(%arg0: i32, %arg1: i32, %arg2: memref<819200xi32, #tpu.memory_space<hbm>>, %arg3: memref<819200xi32, #tpu.memory_space<hbm>>, %arg4: memref<25x128xi32, #tpu.memory_space<hbm>>, %arg5: memref<3200x16xf32, #tpu.memory_space<hbm>>, %arg6: memref<3200x16xf32, #tpu.memory_space<hbm>>, %arg7: memref<3200x16xf32, #tpu.memory_space<hbm>>, %arg8: memref<3200x16xf32, #tpu.memory_space<vmem>>, %arg9: memref<3200x16xf32, #tpu.memory_space<vmem>>, %arg10: memref<3200xi32, #tpu.memory_space<vmem>>, %arg11: memref<25x128xi32, #tpu.memory_space<vmem>>, %arg12: memref<3200x16xf32, #tpu.memory_space<vmem_shared>>, %arg13: memref<3200x16xf32, #tpu.memory_space<vmem_shared>>) attributes {dimension_semantics = [#tpu.dimension_semantics<core_parallel>, #tpu.dimension_semantics<subcore_parallel>], iteration_bounds = array<i64: 2, 16>, scalar_prefetch = 0 : i64, scratch_operands = 6 : i64, tpu.core_type = #tpu.core_type<sc_vector_subcore>, window_params = [{transform_indices = #map}, {transform_indices = #map}, {transform_indices = #map1}, {transform_indices = #map1}, {transform_indices = #map1}, {transform_indices = #map1}]} {
    %broadcast_in_dim3A = arith.constant 1.000000e+00 : f32
    %broadcast_in_dim3A_0 = vector.broadcast %broadcast_in_dim3A : f32 to vector<16xf32>
    "tpu.region"() ({
      %run_scoped3A_75 = tpu.sem_alloc : memref<!tpu.dma_semaphore, #tpu.memory_space<semaphore_mem>>
      tpu.enqueue_dma source(%arg5 : memref<3200x16xf32, #tpu.memory_space<hbm>>) target(%arg8 : memref<3200x16xf32, #tpu.memory_space<vmem>>) target_semaphore(%run_scoped3A_75 : memref<!tpu.dma_semaphore, #tpu.memory_space<semaphore_mem>>)
      tpu.wait_dma2 semaphore(%run_scoped3A_75 : memref<!tpu.dma_semaphore, #tpu.memory_space<semaphore_mem>>) src(%arg5 : memref<3200x16xf32, #tpu.memory_space<hbm>>) dst(%arg8 : memref<3200x16xf32, #tpu.memory_space<vmem>>)
      tpu.yield
    }) : () -> ()
    "tpu.region"() ({
      %run_scoped3A_75 = tpu.sem_alloc : memref<!tpu.dma_semaphore, #tpu.memory_space<semaphore_mem>>
      tpu.enqueue_dma source(%arg5 : memref<3200x16xf32, #tpu.memory_space<hbm>>) target(%arg9 : memref<3200x16xf32, #tpu.memory_space<vmem>>) target_semaphore(%run_scoped3A_75 : memref<!tpu.dma_semaphore, #tpu.memory_space<semaphore_mem>>)
      tpu.wait_dma2 semaphore(%run_scoped3A_75 : memref<!tpu.dma_semaphore, #tpu.memory_space<semaphore_mem>>) src(%arg5 : memref<3200x16xf32, #tpu.memory_space<hbm>>) dst(%arg9 : memref<3200x16xf32, #tpu.memory_space<vmem>>)
      tpu.yield
    }) : () -> ()
    "tpu.region"() ({
      %run_scoped3A_75 = tpu.sem_alloc : memref<!tpu.dma_semaphore, #tpu.memory_space<semaphore_mem>>
      tpu.enqueue_dma source(%arg4 : memref<25x128xi32, #tpu.memory_space<hbm>>) target(%arg11 : memref<25x128xi32, #tpu.memory_space<vmem>>) target_semaphore(%run_scoped3A_75 : memref<!tpu.dma_semaphore, #tpu.memory_space<semaphore_mem>>)
      tpu.wait_dma2 semaphore(%run_scoped3A_75 : memref<!tpu.dma_semaphore, #tpu.memory_space<semaphore_mem>>) src(%arg4 : memref<25x128xi32, #tpu.memory_space<hbm>>) dst(%arg11 : memref<25x128xi32, #tpu.memory_space<vmem>>)
      tpu.yield
    }) : () -> ()
    %mul3A = arith.constant 200 : i32
    %mul3A_1 = arith.muli %arg1, %mul3A : i32
    %mul3A_2 = arith.constant 200 : i32
    %mul3A_3 = arith.muli %arg1, %mul3A_2 : i32
    "tpu.region"() ({
      %run_scoped3A_75 = tpu.sem_alloc : memref<!tpu.dma_semaphore, #tpu.memory_space<semaphore_mem>>
      %dma_start3A = arith.constant 0 : i32
      %dma_start3A_76 = tpu.memref_slice %arg12[%mul3A_3, %dma_start3A] : memref<3200x16xf32, #tpu.memory_space<vmem_shared>> -> memref<200x16xf32, #tpu.memory_space<vmem_shared>>
      %dma_start3A_77 = arith.constant 0 : i32
      %dma_start3A_78 = tpu.memref_slice %arg5[%mul3A_1, %dma_start3A_77] : memref<3200x16xf32, #tpu.memory_space<hbm>> -> memref<200x16xf32, #tpu.memory_space<hbm>>
      tpu.enqueue_dma source(%dma_start3A_78 : memref<200x16xf32, #tpu.memory_space<hbm>>) target(%dma_start3A_76 : memref<200x16xf32, #tpu.memory_space<vmem_shared>>) target_semaphore(%run_scoped3A_75 : memref<!tpu.dma_semaphore, #tpu.memory_space<semaphore_mem>>)
      %dma_wait3A = arith.constant 0 : i32
      %dma_wait3A_79 = tpu.memref_slice %arg12[%mul3A_3, %dma_wait3A] : memref<3200x16xf32, #tpu.memory_space<vmem_shared>> -> memref<200x16xf32, #tpu.memory_space<vmem_shared>>
      %dma_wait3A_80 = arith.constant 0 : i32
      %dma_wait3A_81 = tpu.memref_slice %arg5[%mul3A_1, %dma_wait3A_80] : memref<3200x16xf32, #tpu.memory_space<hbm>> -> memref<200x16xf32, #tpu.memory_space<hbm>>
      tpu.wait_dma2 semaphore(%run_scoped3A_75 : memref<!tpu.dma_semaphore, #tpu.memory_space<semaphore_mem>>) src(%dma_wait3A_81 : memref<200x16xf32, #tpu.memory_space<hbm>>) dst(%dma_wait3A_79 : memref<200x16xf32, #tpu.memory_space<vmem_shared>>)
      tpu.yield
    }) : () -> ()
    %mul3A_4 = arith.constant 200 : i32
    %mul3A_5 = arith.muli %arg1, %mul3A_4 : i32
    %mul3A_6 = arith.constant 200 : i32
    %mul3A_7 = arith.muli %arg1, %mul3A_6 : i32
    "tpu.region"() ({
      %run_scoped3A_75 = tpu.sem_alloc : memref<!tpu.dma_semaphore, #tpu.memory_space<semaphore_mem>>
      %dma_start3A = arith.constant 0 : i32
      %dma_start3A_76 = tpu.memref_slice %arg13[%mul3A_7, %dma_start3A] : memref<3200x16xf32, #tpu.memory_space<vmem_shared>> -> memref<200x16xf32, #tpu.memory_space<vmem_shared>>
      %dma_start3A_77 = arith.constant 0 : i32
      %dma_start3A_78 = tpu.memref_slice %arg5[%mul3A_5, %dma_start3A_77] : memref<3200x16xf32, #tpu.memory_space<hbm>> -> memref<200x16xf32, #tpu.memory_space<hbm>>
      tpu.enqueue_dma source(%dma_start3A_78 : memref<200x16xf32, #tpu.memory_space<hbm>>) target(%dma_start3A_76 : memref<200x16xf32, #tpu.memory_space<vmem_shared>>) target_semaphore(%run_scoped3A_75 : memref<!tpu.dma_semaphore, #tpu.memory_space<semaphore_mem>>)
      %dma_wait3A = arith.constant 0 : i32
      %dma_wait3A_79 = tpu.memref_slice %arg13[%mul3A_7, %dma_wait3A] : memref<3200x16xf32, #tpu.memory_space<vmem_shared>> -> memref<200x16xf32, #tpu.memory_space<vmem_shared>>
      %dma_wait3A_80 = arith.constant 0 : i32
      %dma_wait3A_81 = tpu.memref_slice %arg5[%mul3A_5, %dma_wait3A_80] : memref<3200x16xf32, #tpu.memory_space<hbm>> -> memref<200x16xf32, #tpu.memory_space<hbm>>
      tpu.wait_dma2 semaphore(%run_scoped3A_75 : memref<!tpu.dma_semaphore, #tpu.memory_space<semaphore_mem>>) src(%dma_wait3A_81 : memref<200x16xf32, #tpu.memory_space<hbm>>) dst(%dma_wait3A_79 : memref<200x16xf32, #tpu.memory_space<vmem_shared>>)
      tpu.yield
    }) : () -> ()
    %scan3A = arith.constant 0 : i32
    %scan3A_8 = arith.constant 16 : i32
    %scan3A_9 = arith.addi %scan3A, %scan3A_8 : i32
    %scan3A_10 = arith.constant 1 : i32
    scf.for %scan3A_75 = %scan3A to %scan3A_9 step %scan3A_10  : i32 {
      %mul3A_76 = arith.constant 1 : i32
      %mul3A_77 = arith.muli %scan3A_75, %mul3A_76 : i32
      %add3A = arith.constant 0 : i32
      %add3A_78 = arith.addi %add3A, %mul3A_77 : i32
      %mul3A_79 = arith.constant 51200 : i32
      %mul3A_80 = arith.muli %arg1, %mul3A_79 : i32
      %mul3A_81 = arith.constant 3200 : i32
      %mul3A_82 = arith.muli %add3A_78, %mul3A_81 : i32
      %add3A_83 = arith.addi %mul3A_80, %mul3A_82 : i32
      "tpu.region"() ({
        %run_scoped3A_89 = tpu.sem_alloc : memref<!tpu.dma_semaphore, #tpu.memory_space<semaphore_mem>>
        %dma_start3A = tpu.memref_slice %arg2[%add3A_83] : memref<819200xi32, #tpu.memory_space<hbm>> -> memref<3200xi32, #tpu.memory_space<hbm>>
        %dma_start3A_90 = tpu.memref_slice %arg2[%add3A_83] : memref<819200xi32, #tpu.memory_space<hbm>> -> memref<3200xi32, #tpu.memory_space<hbm>>
        tpu.enqueue_dma source(%dma_start3A_90 : memref<3200xi32, #tpu.memory_space<hbm>>) target(%arg10 : memref<3200xi32, #tpu.memory_space<vmem>>) target_semaphore(%run_scoped3A_89 : memref<!tpu.dma_semaphore, #tpu.memory_space<semaphore_mem>>)
        %dma_wait3A = tpu.memref_slice %arg2[%add3A_83] : memref<819200xi32, #tpu.memory_space<hbm>> -> memref<3200xi32, #tpu.memory_space<hbm>>
        %dma_wait3A_91 = tpu.memref_slice %arg2[%add3A_83] : memref<819200xi32, #tpu.memory_space<hbm>> -> memref<3200xi32, #tpu.memory_space<hbm>>
        tpu.wait_dma2 semaphore(%run_scoped3A_89 : memref<!tpu.dma_semaphore, #tpu.memory_space<semaphore_mem>>) src(%dma_wait3A_91 : memref<3200xi32, #tpu.memory_space<hbm>>) dst(%arg10 : memref<3200xi32, #tpu.memory_space<vmem>>)
        tpu.yield
      }) : () -> ()
      %scan3A_84 = arith.constant 0 : i32
      %scan3A_85 = arith.constant 200 : i32
      %scan3A_86 = arith.addi %scan3A_84, %scan3A_85 : i32
      %scan3A_87 = arith.constant 1 : i32
      scf.for %scan3A_89 = %scan3A_84 to %scan3A_86 step %scan3A_87  : i32 {
        %mul3A_90 = arith.constant 1 : i32
        %mul3A_91 = arith.muli %scan3A_89, %mul3A_90 : i32
        %add3A_92 = arith.constant 0 : i32
        %add3A_93 = arith.addi %add3A_92, %mul3A_91 : i32
        %mul3A_94 = arith.constant 16 : i32
        %mul3A_95 = arith.muli %add3A_93, %mul3A_94 : i32
        %get3A = arith.index_cast %mul3A_95 : i32 to index
        %get3A_96 = tpu.vector_load %arg10[%get3A] {strides = array<i32>} : memref<3200xi32, #tpu.memory_space<vmem>>, vector<16xi32>,
        %shift_right_logical3A = arith.constant 4 : i32
        %shift_right_logical3A_97 = vector.broadcast %shift_right_logical3A : i32 to vector<16xi32>
        %shift_right_logical3A_98 = arith.shrui %get3A_96, %shift_right_logical3A_97 : vector<16xi32>
        %broadcast_in_dim3A_99 = arith.constant 15 : i32
        %broadcast_in_dim3A_100 = vector.broadcast %broadcast_in_dim3A_99 : i32 to vector<16xi32>
        %and3A = arith.andi %get3A_96, %broadcast_in_dim3A_100 : vector<16xi32>
        tpu.vector_store_idx %arg8[%shift_right_logical3A_98, %and3A], %broadcast_in_dim3A_0 {add = true} : memref<3200x16xf32, #tpu.memory_space<vmem>>[vector<16xi32>, vector<16xi32>], vector<16xf32>,
      }
      %scan3A_88 = arith.constant 200 : i32
    }
    %scan3A_11 = arith.constant 16 : i32
    %scan3A_12 = arith.constant 0 : i32
    %scan3A_13 = arith.constant 16 : i32
    %scan3A_14 = arith.addi %scan3A_12, %scan3A_13 : i32
    %scan3A_15 = arith.constant 1 : i32
    scf.for %scan3A_75 = %scan3A_12 to %scan3A_14 step %scan3A_15  : i32 {
      %mul3A_76 = arith.constant 1 : i32
      %mul3A_77 = arith.muli %scan3A_75, %mul3A_76 : i32
      %add3A = arith.constant 0 : i32
      %add3A_78 = arith.addi %add3A, %mul3A_77 : i32
      %mul3A_79 = arith.constant 51200 : i32
      %mul3A_80 = arith.muli %arg1, %mul3A_79 : i32
      %mul3A_81 = arith.constant 3200 : i32
      %mul3A_82 = arith.muli %add3A_78, %mul3A_81 : i32
      %add3A_83 = arith.addi %mul3A_80, %mul3A_82 : i32
      "tpu.region"() ({
        %run_scoped3A_89 = tpu.sem_alloc : memref<!tpu.dma_semaphore, #tpu.memory_space<semaphore_mem>>
        %dma_start3A = tpu.memref_slice %arg3[%add3A_83] : memref<819200xi32, #tpu.memory_space<hbm>> -> memref<3200xi32, #tpu.memory_space<hbm>>
        %dma_start3A_90 = tpu.memref_slice %arg3[%add3A_83] : memref<819200xi32, #tpu.memory_space<hbm>> -> memref<3200xi32, #tpu.memory_space<hbm>>
        tpu.enqueue_dma source(%dma_start3A_90 : memref<3200xi32, #tpu.memory_space<hbm>>) target(%arg10 : memref<3200xi32, #tpu.memory_space<vmem>>) target_semaphore(%run_scoped3A_89 : memref<!tpu.dma_semaphore, #tpu.memory_space<semaphore_mem>>)
        %dma_wait3A = tpu.memref_slice %arg3[%add3A_83] : memref<819200xi32, #tpu.memory_space<hbm>> -> memref<3200xi32, #tpu.memory_space<hbm>>
        %dma_wait3A_91 = tpu.memref_slice %arg3[%add3A_83] : memref<819200xi32, #tpu.memory_space<hbm>> -> memref<3200xi32, #tpu.memory_space<hbm>>
        tpu.wait_dma2 semaphore(%run_scoped3A_89 : memref<!tpu.dma_semaphore, #tpu.memory_space<semaphore_mem>>) src(%dma_wait3A_91 : memref<3200xi32, #tpu.memory_space<hbm>>) dst(%arg10 : memref<3200xi32, #tpu.memory_space<vmem>>)
        tpu.yield
      }) : () -> ()
      %scan3A_84 = arith.constant 0 : i32
      %scan3A_85 = arith.constant 200 : i32
      %scan3A_86 = arith.addi %scan3A_84, %scan3A_85 : i32
      %scan3A_87 = arith.constant 1 : i32
      scf.for %scan3A_89 = %scan3A_84 to %scan3A_86 step %scan3A_87  : i32 {
        %mul3A_90 = arith.constant 1 : i32
        %mul3A_91 = arith.muli %scan3A_89, %mul3A_90 : i32
        %add3A_92 = arith.constant 0 : i32
        %add3A_93 = arith.addi %add3A_92, %mul3A_91 : i32
        %mul3A_94 = arith.constant 16 : i32
        %mul3A_95 = arith.muli %add3A_93, %mul3A_94 : i32
        %get3A = arith.index_cast %mul3A_95 : i32 to index
        %get3A_96 = tpu.vector_load %arg10[%get3A] {strides = array<i32>} : memref<3200xi32, #tpu.memory_space<vmem>>, vector<16xi32>,
        %shift_right_logical3A = arith.constant 4 : i32
        %shift_right_logical3A_97 = vector.broadcast %shift_right_logical3A : i32 to vector<16xi32>
        %shift_right_logical3A_98 = arith.shrui %get3A_96, %shift_right_logical3A_97 : vector<16xi32>
        %broadcast_in_dim3A_99 = arith.constant 15 : i32
        %broadcast_in_dim3A_100 = vector.broadcast %broadcast_in_dim3A_99 : i32 to vector<16xi32>
        %and3A = arith.andi %get3A_96, %broadcast_in_dim3A_100 : vector<16xi32>
        tpu.vector_store_idx %arg9[%shift_right_logical3A_98, %and3A], %broadcast_in_dim3A_0 {add = true} : memref<3200x16xf32, #tpu.memory_space<vmem>>[vector<16xi32>, vector<16xi32>], vector<16xf32>,
      }
      %scan3A_88 = arith.constant 200 : i32
    }
    %scan3A_16 = arith.constant 16 : i32
    %barrier3A = arith.constant 0 : index
    tpu.barrier barrier_id(%barrier3A)
    %run_scoped3A = arith.constant 0 : i32
    "tpu.region"() ({
      %run_scoped3A_75 = tpu.sem_alloc : memref<!tpu.dma_semaphore, #tpu.memory_space<semaphore_mem>>
      %dma_start3A = arith.constant 0 : i32
      %dma_start3A_76 = arith.constant 0 : i32
      %dma_start3A_77 = tpu.memref_slice %arg8[%dma_start3A, %dma_start3A_76] : memref<3200x16xf32, #tpu.memory_space<vmem>> -> memref<128x16xf32, #tpu.memory_space<vmem>>
      %dma_start3A_78 = arith.constant 0 : i32
      %dma_start3A_79 = tpu.memref_slice %arg11[%run_scoped3A, %dma_start3A_78] : memref<25x128xi32, #tpu.memory_space<vmem>> -> memref<1x128xi32, #tpu.memory_space<vmem>>
      %dma_start3A_80 = tpu.memref_squeeze %dma_start3A_79 : memref<1x128xi32, #tpu.memory_space<vmem>> -> memref<128xi32, #tpu.memory_space<vmem>>
      %dma_start3A_81 = arith.constant 0 : i32
      %dma_start3A_82 = arith.constant 0 : i32
      %dma_start3A_83 = tpu.memref_slice %arg12[%dma_start3A_81, %dma_start3A_82] : memref<3200x16xf32, #tpu.memory_space<vmem_shared>> -> memref<3200x16xf32, #tpu.memory_space<vmem_shared>>
      tpu.enqueue_indirect_dma source(%dma_start3A_77 : memref<128x16xf32, #tpu.memory_space<vmem>>) target(%dma_start3A_83 : memref<3200x16xf32, #tpu.memory_space<vmem_shared>>) offsets(%dma_start3A_80 : memref<128xi32, #tpu.memory_space<vmem>>) semaphore(%run_scoped3A_75 : memref<!tpu.dma_semaphore, #tpu.memory_space<semaphore_mem>>) {add = true}
      %dma_wait3A = arith.constant 0 : i32
      %dma_wait3A_84 = arith.constant 0 : i32
      %dma_wait3A_85 = tpu.memref_slice %arg8[%dma_wait3A, %dma_wait3A_84] : memref<3200x16xf32, #tpu.memory_space<vmem>> -> memref<128x16xf32, #tpu.memory_space<vmem>>
      %dma_wait3A_86 = arith.constant 0 : i32
      %dma_wait3A_87 = tpu.memref_slice %arg11[%run_scoped3A, %dma_wait3A_86] : memref<25x128xi32, #tpu.memory_space<vmem>> -> memref<1x128xi32, #tpu.memory_space<vmem>>
      %dma_wait3A_88 = tpu.memref_squeeze %dma_wait3A_87 : memref<1x128xi32, #tpu.memory_space<vmem>> -> memref<128xi32, #tpu.memory_space<vmem>>
      %dma_wait3A_89 = arith.constant 0 : i32
      %dma_wait3A_90 = arith.constant 0 : i32
      %dma_wait3A_91 = tpu.memref_slice %arg12[%dma_wait3A_89, %dma_wait3A_90] : memref<3200x16xf32, #tpu.memory_space<vmem_shared>> -> memref<3200x16xf32, #tpu.memory_space<vmem_shared>>
      tpu.wait_indirect_dma semaphore(%run_scoped3A_75 : memref<!tpu.dma_semaphore, #tpu.memory_space<semaphore_mem>>) src(%dma_wait3A_85 : memref<128x16xf32, #tpu.memory_space<vmem>>) dst(%dma_wait3A_91 : memref<3200x16xf32, #tpu.memory_space<vmem_shared>>)
      tpu.yield
    }) : () -> ()
    %run_scoped3A_17 = arith.constant 0 : i32
    "tpu.region"() ({
      %run_scoped3A_75 = tpu.sem_alloc : memref<!tpu.dma_semaphore, #tpu.memory_space<semaphore_mem>>
      %dma_start3A = arith.constant 0 : i32
      %dma_start3A_76 = arith.constant 0 : i32
      %dma_start3A_77 = tpu.memref_slice %arg9[%dma_start3A, %dma_start3A_76] : memref<3200x16xf32, #tpu.memory_space<vmem>> -> memref<128x16xf32, #tpu.memory_space<vmem>>
      %dma_start3A_78 = arith.constant 0 : i32
      %dma_start3A_79 = tpu.memref_slice %arg11[%run_scoped3A_17, %dma_start3A_78] : memref<25x128xi32, #tpu.memory_space<vmem>> -> memref<1x128xi32, #tpu.memory_space<vmem>>
      %dma_start3A_80 = tpu.memref_squeeze %dma_start3A_79 : memref<1x128xi32, #tpu.memory_space<vmem>> -> memref<128xi32, #tpu.memory_space<vmem>>
      %dma_start3A_81 = arith.constant 0 : i32
      %dma_start3A_82 = arith.constant 0 : i32
      %dma_start3A_83 = tpu.memref_slice %arg13[%dma_start3A_81, %dma_start3A_82] : memref<3200x16xf32, #tpu.memory_space<vmem_shared>> -> memref<3200x16xf32, #tpu.memory_space<vmem_shared>>
      tpu.enqueue_indirect_dma source(%dma_start3A_77 : memref<128x16xf32, #tpu.memory_space<vmem>>) target(%dma_start3A_83 : memref<3200x16xf32, #tpu.memory_space<vmem_shared>>) offsets(%dma_start3A_80 : memref<128xi32, #tpu.memory_space<vmem>>) semaphore(%run_scoped3A_75 : memref<!tpu.dma_semaphore, #tpu.memory_space<semaphore_mem>>) {add = true}
      %dma_wait3A = arith.constant 0 : i32
      %dma_wait3A_84 = arith.constant 0 : i32
      %dma_wait3A_85 = tpu.memref_slice %arg9[%dma_wait3A, %dma_wait3A_84] : memref<3200x16xf32, #tpu.memory_space<vmem>> -> memref<128x16xf32, #tpu.memory_space<vmem>>
      %dma_wait3A_86 = arith.constant 0 : i32
      %dma_wait3A_87 = tpu.memref_slice %arg11[%run_scoped3A_17, %dma_wait3A_86] : memref<25x128xi32, #tpu.memory_space<vmem>> -> memref<1x128xi32, #tpu.memory_space<vmem>>
      %dma_wait3A_88 = tpu.memref_squeeze %dma_wait3A_87 : memref<1x128xi32, #tpu.memory_space<vmem>> -> memref<128xi32, #tpu.memory_space<vmem>>
      %dma_wait3A_89 = arith.constant 0 : i32
      %dma_wait3A_90 = arith.constant 0 : i32
      %dma_wait3A_91 = tpu.memref_slice %arg13[%dma_wait3A_89, %dma_wait3A_90] : memref<3200x16xf32, #tpu.memory_space<vmem_shared>> -> memref<3200x16xf32, #tpu.memory_space<vmem_shared>>
      tpu.wait_indirect_dma semaphore(%run_scoped3A_75 : memref<!tpu.dma_semaphore, #tpu.memory_space<semaphore_mem>>) src(%dma_wait3A_85 : memref<128x16xf32, #tpu.memory_space<vmem>>) dst(%dma_wait3A_91 : memref<3200x16xf32, #tpu.memory_space<vmem_shared>>)
      tpu.yield
    }) : () -> ()
    %run_scoped3A_18 = arith.constant 1 : i32
    "tpu.region"() ({
      %run_scoped3A_75 = tpu.sem_alloc : memref<!tpu.dma_semaphore, #tpu.memory_space<semaphore_mem>>
      %dma_start3A = arith.constant 128 : i32
      %dma_start3A_76 = arith.constant 0 : i32
      %dma_start3A_77 = tpu.memref_slice %arg8[%dma_start3A, %dma_start3A_76] : memref<3200x16xf32, #tpu.memory_space<vmem>> -> memref<128x16xf32, #tpu.memory_space<vmem>>
      %dma_start3A_78 = arith.constant 0 : i32
      %dma_start3A_79 = tpu.memref_slice %arg11[%run_scoped3A_18, %dma_start3A_78] : memref<25x128xi32, #tpu.memory_space<vmem>> -> memref<1x128xi32, #tpu.memory_space<vmem>>
      %dma_start3A_80 = tpu.memref_squeeze %dma_start3A_79 : memref<1x128xi32, #tpu.memory_space<vmem>> -> memref<128xi32, #tpu.memory_space<vmem>>
      %dma_start3A_81 = arith.constant 0 : i32
      %dma_start3A_82 = arith.constant 0 : i32
      %dma_start3A_83 = tpu.memref_slice %arg12[%dma_start3A_81, %dma_start3A_82] : memref<3200x16xf32, #tpu.memory_space<vmem_shared>> -> memref<3200x16xf32, #tpu.memory_space<vmem_shared>>
      tpu.enqueue_indirect_dma source(%dma_start3A_77 : memref<128x16xf32, #tpu.memory_space<vmem>>) target(%dma_start3A_83 : memref<3200x16xf32, #tpu.memory_space<vmem_shared>>) offsets(%dma_start3A_80 : memref<128xi32, #tpu.memory_space<vmem>>) semaphore(%run_scoped3A_75 : memref<!tpu.dma_semaphore, #tpu.memory_space<semaphore_mem>>) {add = true}
      %dma_wait3A = arith.constant 128 : i32
      %dma_wait3A_84 = arith.constant 0 : i32
      %dma_wait3A_85 = tpu.memref_slice %arg8[%dma_wait3A, %dma_wait3A_84] : memref<3200x16xf32, #tpu.memory_space<vmem>> -> memref<128x16xf32, #tpu.memory_space<vmem>>
      %dma_wait3A_86 = arith.constant 0 : i32
      %dma_wait3A_87 = tpu.memref_slice %arg11[%run_scoped3A_18, %dma_wait3A_86] : memref<25x128xi32, #tpu.memory_space<vmem>> -> memref<1x128xi32, #tpu.memory_space<vmem>>
      %dma_wait3A_88 = tpu.memref_squeeze %dma_wait3A_87 : memref<1x128xi32, #tpu.memory_space<vmem>> -> memref<128xi32, #tpu.memory_space<vmem>>
      %dma_wait3A_89 = arith.constant 0 : i32
      %dma_wait3A_90 = arith.constant 0 : i32
      %dma_wait3A_91 = tpu.memref_slice %arg12[%dma_wait3A_89, %dma_wait3A_90] : memref<3200x16xf32, #tpu.memory_space<vmem_shared>> -> memref<3200x16xf32, #tpu.memory_space<vmem_shared>>
      tpu.wait_indirect_dma semaphore(%run_scoped3A_75 : memref<!tpu.dma_semaphore, #tpu.memory_space<semaphore_mem>>) src(%dma_wait3A_85 : memref<128x16xf32, #tpu.memory_space<vmem>>) dst(%dma_wait3A_91 : memref<3200x16xf32, #tpu.memory_space<vmem_shared>>)
      tpu.yield
    }) : () -> ()
    %run_scoped3A_19 = arith.constant 1 : i32
    "tpu.region"() ({
      %run_scoped3A_75 = tpu.sem_alloc : memref<!tpu.dma_semaphore, #tpu.memory_space<semaphore_mem>>
      %dma_start3A = arith.constant 128 : i32
      %dma_start3A_76 = arith.constant 0 : i32
      %dma_start3A_77 = tpu.memref_slice %arg9[%dma_start3A, %dma_start3A_76] : memref<3200x16xf32, #tpu.memory_space<vmem>> -> memref<128x16xf32, #tpu.memory_space<vmem>>
      %dma_start3A_78 = arith.constant 0 : i32
      %dma_start3A_79 = tpu.memref_slice %arg11[%run_scoped3A_19, %dma_start3A_78] : memref<25x128xi32, #tpu.memory_space<vmem>> -> memref<1x128xi32, #tpu.memory_space<vmem>>
      %dma_start3A_80 = tpu.memref_squeeze %dma_start3A_79 : memref<1x128xi32, #tpu.memory_space<vmem>> -> memref<128xi32, #tpu.memory_space<vmem>>
      %dma_start3A_81 = arith.constant 0 : i32
      %dma_start3A_82 = arith.constant 0 : i32
      %dma_start3A_83 = tpu.memref_slice %arg13[%dma_start3A_81, %dma_start3A_82] : memref<3200x16xf32, #tpu.memory_space<vmem_shared>> -> memref<3200x16xf32, #tpu.memory_space<vmem_shared>>
      tpu.enqueue_indirect_dma source(%dma_start3A_77 : memref<128x16xf32, #tpu.memory_space<vmem>>) target(%dma_start3A_83 : memref<3200x16xf32, #tpu.memory_space<vmem_shared>>) offsets(%dma_start3A_80 : memref<128xi32, #tpu.memory_space<vmem>>) semaphore(%run_scoped3A_75 : memref<!tpu.dma_semaphore, #tpu.memory_space<semaphore_mem>>) {add = true}
      %dma_wait3A = arith.constant 128 : i32
      %dma_wait3A_84 = arith.constant 0 : i32
      %dma_wait3A_85 = tpu.memref_slice %arg9[%dma_wait3A, %dma_wait3A_84] : memref<3200x16xf32, #tpu.memory_space<vmem>> -> memref<128x16xf32, #tpu.memory_space<vmem>>
      %dma_wait3A_86 = arith.constant 0 : i32
      %dma_wait3A_87 = tpu.memref_slice %arg11[%run_scoped3A_19, %dma_wait3A_86] : memref<25x128xi32, #tpu.memory_space<vmem>> -> memref<1x128xi32, #tpu.memory_space<vmem>>
      %dma_wait3A_88 = tpu.memref_squeeze %dma_wait3A_87 : memref<1x128xi32, #tpu.memory_space<vmem>> -> memref<128xi32, #tpu.memory_space<vmem>>
      %dma_wait3A_89 = arith.constant 0 : i32
      %dma_wait3A_90 = arith.constant 0 : i32
      %dma_wait3A_91 = tpu.memref_slice %arg13[%dma_wait3A_89, %dma_wait3A_90] : memref<3200x16xf32, #tpu.memory_space<vmem_shared>> -> memref<3200x16xf32, #tpu.memory_space<vmem_shared>>
      tpu.wait_indirect_dma semaphore(%run_scoped3A_75 : memref<!tpu.dma_semaphore, #tpu.memory_space<semaphore_mem>>) src(%dma_wait3A_85 : memref<128x16xf32, #tpu.memory_space<vmem>>) dst(%dma_wait3A_91 : memref<3200x16xf32, #tpu.memory_space<vmem_shared>>)
      tpu.yield
    }) : () -> ()
    %run_scoped3A_20 = arith.constant 2 : i32
    "tpu.region"() ({
      %run_scoped3A_75 = tpu.sem_alloc : memref<!tpu.dma_semaphore, #tpu.memory_space<semaphore_mem>>
      %dma_start3A = arith.constant 256 : i32
      %dma_start3A_76 = arith.constant 0 : i32
      %dma_start3A_77 = tpu.memref_slice %arg8[%dma_start3A, %dma_start3A_76] : memref<3200x16xf32, #tpu.memory_space<vmem>> -> memref<128x16xf32, #tpu.memory_space<vmem>>
      %dma_start3A_78 = arith.constant 0 : i32
      %dma_start3A_79 = tpu.memref_slice %arg11[%run_scoped3A_20, %dma_start3A_78] : memref<25x128xi32, #tpu.memory_space<vmem>> -> memref<1x128xi32, #tpu.memory_space<vmem>>
      %dma_start3A_80 = tpu.memref_squeeze %dma_start3A_79 : memref<1x128xi32, #tpu.memory_space<vmem>> -> memref<128xi32, #tpu.memory_space<vmem>>
      %dma_start3A_81 = arith.constant 0 : i32
      %dma_start3A_82 = arith.constant 0 : i32
      %dma_start3A_83 = tpu.memref_slice %arg12[%dma_start3A_81, %dma_start3A_82] : memref<3200x16xf32, #tpu.memory_space<vmem_shared>> -> memref<3200x16xf32, #tpu.memory_space<vmem_shared>>
      tpu.enqueue_indirect_dma source(%dma_start3A_77 : memref<128x16xf32, #tpu.memory_space<vmem>>) target(%dma_start3A_83 : memref<3200x16xf32, #tpu.memory_space<vmem_shared>>) offsets(%dma_start3A_80 : memref<128xi32, #tpu.memory_space<vmem>>) semaphore(%run_scoped3A_75 : memref<!tpu.dma_semaphore, #tpu.memory_space<semaphore_mem>>) {add = true}
      %dma_wait3A = arith.constant 256 : i32
      %dma_wait3A_84 = arith.constant 0 : i32
      %dma_wait3A_85 = tpu.memref_slice %arg8[%dma_wait3A, %dma_wait3A_84] : memref<3200x16xf32, #tpu.memory_space<vmem>> -> memref<128x16xf32, #tpu.memory_space<vmem>>
      %dma_wait3A_86 = arith.constant 0 : i32
      %dma_wait3A_87 = tpu.memref_slice %arg11[%run_scoped3A_20, %dma_wait3A_86] : memref<25x128xi32, #tpu.memory_space<vmem>> -> memref<1x128xi32, #tpu.memory_space<vmem>>
      %dma_wait3A_88 = tpu.memref_squeeze %dma_wait3A_87 : memref<1x128xi32, #tpu.memory_space<vmem>> -> memref<128xi32, #tpu.memory_space<vmem>>
      %dma_wait3A_89 = arith.constant 0 : i32
      %dma_wait3A_90 = arith.constant 0 : i32
      %dma_wait3A_91 = tpu.memref_slice %arg12[%dma_wait3A_89, %dma_wait3A_90] : memref<3200x16xf32, #tpu.memory_space<vmem_shared>> -> memref<3200x16xf32, #tpu.memory_space<vmem_shared>>
      tpu.wait_indirect_dma semaphore(%run_scoped3A_75 : memref<!tpu.dma_semaphore, #tpu.memory_space<semaphore_mem>>) src(%dma_wait3A_85 : memref<128x16xf32, #tpu.memory_space<vmem>>) dst(%dma_wait3A_91 : memref<3200x16xf32, #tpu.memory_space<vmem_shared>>)
      tpu.yield
    }) : () -> ()
    %run_scoped3A_21 = arith.constant 2 : i32
    "tpu.region"() ({
      %run_scoped3A_75 = tpu.sem_alloc : memref<!tpu.dma_semaphore, #tpu.memory_space<semaphore_mem>>
      %dma_start3A = arith.constant 256 : i32
      %dma_start3A_76 = arith.constant 0 : i32
      %dma_start3A_77 = tpu.memref_slice %arg9[%dma_start3A, %dma_start3A_76] : memref<3200x16xf32, #tpu.memory_space<vmem>> -> memref<128x16xf32, #tpu.memory_space<vmem>>
      %dma_start3A_78 = arith.constant 0 : i32
      %dma_start3A_79 = tpu.memref_slice %arg11[%run_scoped3A_21, %dma_start3A_78] : memref<25x128xi32, #tpu.memory_space<vmem>> -> memref<1x128xi32, #tpu.memory_space<vmem>>
      %dma_start3A_80 = tpu.memref_squeeze %dma_start3A_79 : memref<1x128xi32, #tpu.memory_space<vmem>> -> memref<128xi32, #tpu.memory_space<vmem>>
      %dma_start3A_81 = arith.constant 0 : i32
      %dma_start3A_82 = arith.constant 0 : i32
      %dma_start3A_83 = tpu.memref_slice %arg13[%dma_start3A_81, %dma_start3A_82] : memref<3200x16xf32, #tpu.memory_space<vmem_shared>> -> memref<3200x16xf32, #tpu.memory_space<vmem_shared>>
      tpu.enqueue_indirect_dma source(%dma_start3A_77 : memref<128x16xf32, #tpu.memory_space<vmem>>) target(%dma_start3A_83 : memref<3200x16xf32, #tpu.memory_space<vmem_shared>>) offsets(%dma_start3A_80 : memref<128xi32, #tpu.memory_space<vmem>>) semaphore(%run_scoped3A_75 : memref<!tpu.dma_semaphore, #tpu.memory_space<semaphore_mem>>) {add = true}
      %dma_wait3A = arith.constant 256 : i32
      %dma_wait3A_84 = arith.constant 0 : i32
      %dma_wait3A_85 = tpu.memref_slice %arg9[%dma_wait3A, %dma_wait3A_84] : memref<3200x16xf32, #tpu.memory_space<vmem>> -> memref<128x16xf32, #tpu.memory_space<vmem>>
      %dma_wait3A_86 = arith.constant 0 : i32
      %dma_wait3A_87 = tpu.memref_slice %arg11[%run_scoped3A_21, %dma_wait3A_86] : memref<25x128xi32, #tpu.memory_space<vmem>> -> memref<1x128xi32, #tpu.memory_space<vmem>>
      %dma_wait3A_88 = tpu.memref_squeeze %dma_wait3A_87 : memref<1x128xi32, #tpu.memory_space<vmem>> -> memref<128xi32, #tpu.memory_space<vmem>>
      %dma_wait3A_89 = arith.constant 0 : i32
      %dma_wait3A_90 = arith.constant 0 : i32
      %dma_wait3A_91 = tpu.memref_slice %arg13[%dma_wait3A_89, %dma_wait3A_90] : memref<3200x16xf32, #tpu.memory_space<vmem_shared>> -> memref<3200x16xf32, #tpu.memory_space<vmem_shared>>
      tpu.wait_indirect_dma semaphore(%run_scoped3A_75 : memref<!tpu.dma_semaphore, #tpu.memory_space<semaphore_mem>>) src(%dma_wait3A_85 : memref<128x16xf32, #tpu.memory_space<vmem>>) dst(%dma_wait3A_91 : memref<3200x16xf32, #tpu.memory_space<vmem_shared>>)
      tpu.yield
    }) : () -> ()
    %run_scoped3A_22 = arith.constant 3 : i32
    "tpu.region"() ({
      %run_scoped3A_75 = tpu.sem_alloc : memref<!tpu.dma_semaphore, #tpu.memory_space<semaphore_mem>>
      %dma_start3A = arith.constant 384 : i32
      %dma_start3A_76 = arith.constant 0 : i32
      %dma_start3A_77 = tpu.memref_slice %arg8[%dma_start3A, %dma_start3A_76] : memref<3200x16xf32, #tpu.memory_space<vmem>> -> memref<128x16xf32, #tpu.memory_space<vmem>>
      %dma_start3A_78 = arith.constant 0 : i32
      %dma_start3A_79 = tpu.memref_slice %arg11[%run_scoped3A_22, %dma_start3A_78] : memref<25x128xi32, #tpu.memory_space<vmem>> -> memref<1x128xi32, #tpu.memory_space<vmem>>
      %dma_start3A_80 = tpu.memref_squeeze %dma_start3A_79 : memref<1x128xi32, #tpu.memory_space<vmem>> -> memref<128xi32, #tpu.memory_space<vmem>>
      %dma_start3A_81 = arith.constant 0 : i32
      %dma_start3A_82 = arith.constant 0 : i32
      %dma_start3A_83 = tpu.memref_slice %arg12[%dma_start3A_81, %dma_start3A_82] : memref<3200x16xf32, #tpu.memory_space<vmem_shared>> -> memref<3200x16xf32, #tpu.memory_space<vmem_shared>>
      tpu.enqueue_indirect_dma source(%dma_start3A_77 : memref<128x16xf32, #tpu.memory_space<vmem>>) target(%dma_start3A_83 : memref<3200x16xf32, #tpu.memory_space<vmem_shared>>) offsets(%dma_start3A_80 : memref<128xi32, #tpu.memory_space<vmem>>) semaphore(%run_scoped3A_75 : memref<!tpu.dma_semaphore, #tpu.memory_space<semaphore_mem>>) {add = true}
      %dma_wait3A = arith.constant 384 : i32
      %dma_wait3A_84 = arith.constant 0 : i32
      %dma_wait3A_85 = tpu.memref_slice %arg8[%dma_wait3A, %dma_wait3A_84] : memref<3200x16xf32, #tpu.memory_space<vmem>> -> memref<128x16xf32, #tpu.memory_space<vmem>>
      %dma_wait3A_86 = arith.constant 0 : i32
      %dma_wait3A_87 = tpu.memref_slice %arg11[%run_scoped3A_22, %dma_wait3A_86] : memref<25x128xi32, #tpu.memory_space<vmem>> -> memref<1x128xi32, #tpu.memory_space<vmem>>
      %dma_wait3A_88 = tpu.memref_squeeze %dma_wait3A_87 : memref<1x128xi32, #tpu.memory_space<vmem>> -> memref<128xi32, #tpu.memory_space<vmem>>
      %dma_wait3A_89 = arith.constant 0 : i32
      %dma_wait3A_90 = arith.constant 0 : i32
      %dma_wait3A_91 = tpu.memref_slice %arg12[%dma_wait3A_89, %dma_wait3A_90] : memref<3200x16xf32, #tpu.memory_space<vmem_shared>> -> memref<3200x16xf32, #tpu.memory_space<vmem_shared>>
      tpu.wait_indirect_dma semaphore(%run_scoped3A_75 : memref<!tpu.dma_semaphore, #tpu.memory_space<semaphore_mem>>) src(%dma_wait3A_85 : memref<128x16xf32, #tpu.memory_space<vmem>>) dst(%dma_wait3A_91 : memref<3200x16xf32, #tpu.memory_space<vmem_shared>>)
      tpu.yield
    }) : () -> ()
    %run_scoped3A_23 = arith.constant 3 : i32
    "tpu.region"() ({
      %run_scoped3A_75 = tpu.sem_alloc : memref<!tpu.dma_semaphore, #tpu.memory_space<semaphore_mem>>
      %dma_start3A = arith.constant 384 : i32
      %dma_start3A_76 = arith.constant 0 : i32
      %dma_start3A_77 = tpu.memref_slice %arg9[%dma_start3A, %dma_start3A_76] : memref<3200x16xf32, #tpu.memory_space<vmem>> -> memref<128x16xf32, #tpu.memory_space<vmem>>
      %dma_start3A_78 = arith.constant 0 : i32
      %dma_start3A_79 = tpu.memref_slice %arg11[%run_scoped3A_23, %dma_start3A_78] : memref<25x128xi32, #tpu.memory_space<vmem>> -> memref<1x128xi32, #tpu.memory_space<vmem>>
      %dma_start3A_80 = tpu.memref_squeeze %dma_start3A_79 : memref<1x128xi32, #tpu.memory_space<vmem>> -> memref<128xi32, #tpu.memory_space<vmem>>
      %dma_start3A_81 = arith.constant 0 : i32
      %dma_start3A_82 = arith.constant 0 : i32
      %dma_start3A_83 = tpu.memref_slice %arg13[%dma_start3A_81, %dma_start3A_82] : memref<3200x16xf32, #tpu.memory_space<vmem_shared>> -> memref<3200x16xf32, #tpu.memory_space<vmem_shared>>
      tpu.enqueue_indirect_dma source(%dma_start3A_77 : memref<128x16xf32, #tpu.memory_space<vmem>>) target(%dma_start3A_83 : memref<3200x16xf32, #tpu.memory_space<vmem_shared>>) offsets(%dma_start3A_80 : memref<128xi32, #tpu.memory_space<vmem>>) semaphore(%run_scoped3A_75 : memref<!tpu.dma_semaphore, #tpu.memory_space<semaphore_mem>>) {add = true}
      %dma_wait3A = arith.constant 384 : i32
      %dma_wait3A_84 = arith.constant 0 : i32
      %dma_wait3A_85 = tpu.memref_slice %arg9[%dma_wait3A, %dma_wait3A_84] : memref<3200x16xf32, #tpu.memory_space<vmem>> -> memref<128x16xf32, #tpu.memory_space<vmem>>
      %dma_wait3A_86 = arith.constant 0 : i32
      %dma_wait3A_87 = tpu.memref_slice %arg11[%run_scoped3A_23, %dma_wait3A_86] : memref<25x128xi32, #tpu.memory_space<vmem>> -> memref<1x128xi32, #tpu.memory_space<vmem>>
      %dma_wait3A_88 = tpu.memref_squeeze %dma_wait3A_87 : memref<1x128xi32, #tpu.memory_space<vmem>> -> memref<128xi32, #tpu.memory_space<vmem>>
      %dma_wait3A_89 = arith.constant 0 : i32
      %dma_wait3A_90 = arith.constant 0 : i32
      %dma_wait3A_91 = tpu.memref_slice %arg13[%dma_wait3A_89, %dma_wait3A_90] : memref<3200x16xf32, #tpu.memory_space<vmem_shared>> -> memref<3200x16xf32, #tpu.memory_space<vmem_shared>>
      tpu.wait_indirect_dma semaphore(%run_scoped3A_75 : memref<!tpu.dma_semaphore, #tpu.memory_space<semaphore_mem>>) src(%dma_wait3A_85 : memref<128x16xf32, #tpu.memory_space<vmem>>) dst(%dma_wait3A_91 : memref<3200x16xf32, #tpu.memory_space<vmem_shared>>)
      tpu.yield
    }) : () -> ()
    %run_scoped3A_24 = arith.constant 4 : i32
    "tpu.region"() ({
      %run_scoped3A_75 = tpu.sem_alloc : memref<!tpu.dma_semaphore, #tpu.memory_space<semaphore_mem>>
      %dma_start3A = arith.constant 512 : i32
      %dma_start3A_76 = arith.constant 0 : i32
      %dma_start3A_77 = tpu.memref_slice %arg8[%dma_start3A, %dma_start3A_76] : memref<3200x16xf32, #tpu.memory_space<vmem>> -> memref<128x16xf32, #tpu.memory_space<vmem>>
      %dma_start3A_78 = arith.constant 0 : i32
      %dma_start3A_79 = tpu.memref_slice %arg11[%run_scoped3A_24, %dma_start3A_78] : memref<25x128xi32, #tpu.memory_space<vmem>> -> memref<1x128xi32, #tpu.memory_space<vmem>>
      %dma_start3A_80 = tpu.memref_squeeze %dma_start3A_79 : memref<1x128xi32, #tpu.memory_space<vmem>> -> memref<128xi32, #tpu.memory_space<vmem>>
      %dma_start3A_81 = arith.constant 0 : i32
      %dma_start3A_82 = arith.constant 0 : i32
      %dma_start3A_83 = tpu.memref_slice %arg12[%dma_start3A_81, %dma_start3A_82] : memref<3200x16xf32, #tpu.memory_space<vmem_shared>> -> memref<3200x16xf32, #tpu.memory_space<vmem_shared>>
      tpu.enqueue_indirect_dma source(%dma_start3A_77 : memref<128x16xf32, #tpu.memory_space<vmem>>) target(%dma_start3A_83 : memref<3200x16xf32, #tpu.memory_space<vmem_shared>>) offsets(%dma_start3A_80 : memref<128xi32, #tpu.memory_space<vmem>>) semaphore(%run_scoped3A_75 : memref<!tpu.dma_semaphore, #tpu.memory_space<semaphore_mem>>) {add = true}
      %dma_wait3A = arith.constant 512 : i32
      %dma_wait3A_84 = arith.constant 0 : i32
      %dma_wait3A_85 = tpu.memref_slice %arg8[%dma_wait3A, %dma_wait3A_84] : memref<3200x16xf32, #tpu.memory_space<vmem>> -> memref<128x16xf32, #tpu.memory_space<vmem>>
      %dma_wait3A_86 = arith.constant 0 : i32
      %dma_wait3A_87 = tpu.memref_slice %arg11[%run_scoped3A_24, %dma_wait3A_86] : memref<25x128xi32, #tpu.memory_space<vmem>> -> memref<1x128xi32, #tpu.memory_space<vmem>>
      %dma_wait3A_88 = tpu.memref_squeeze %dma_wait3A_87 : memref<1x128xi32, #tpu.memory_space<vmem>> -> memref<128xi32, #tpu.memory_space<vmem>>
      %dma_wait3A_89 = arith.constant 0 : i32
      %dma_wait3A_90 = arith.constant 0 : i32
      %dma_wait3A_91 = tpu.memref_slice %arg12[%dma_wait3A_89, %dma_wait3A_90] : memref<3200x16xf32, #tpu.memory_space<vmem_shared>> -> memref<3200x16xf32, #tpu.memory_space<vmem_shared>>
      tpu.wait_indirect_dma semaphore(%run_scoped3A_75 : memref<!tpu.dma_semaphore, #tpu.memory_space<semaphore_mem>>) src(%dma_wait3A_85 : memref<128x16xf32, #tpu.memory_space<vmem>>) dst(%dma_wait3A_91 : memref<3200x16xf32, #tpu.memory_space<vmem_shared>>)
      tpu.yield
    }) : () -> ()
    %run_scoped3A_25 = arith.constant 4 : i32
    "tpu.region"() ({
      %run_scoped3A_75 = tpu.sem_alloc : memref<!tpu.dma_semaphore, #tpu.memory_space<semaphore_mem>>
      %dma_start3A = arith.constant 512 : i32
      %dma_start3A_76 = arith.constant 0 : i32
      %dma_start3A_77 = tpu.memref_slice %arg9[%dma_start3A, %dma_start3A_76] : memref<3200x16xf32, #tpu.memory_space<vmem>> -> memref<128x16xf32, #tpu.memory_space<vmem>>
      %dma_start3A_78 = arith.constant 0 : i32
      %dma_start3A_79 = tpu.memref_slice %arg11[%run_scoped3A_25, %dma_start3A_78] : memref<25x128xi32, #tpu.memory_space<vmem>> -> memref<1x128xi32, #tpu.memory_space<vmem>>
      %dma_start3A_80 = tpu.memref_squeeze %dma_start3A_79 : memref<1x128xi32, #tpu.memory_space<vmem>> -> memref<128xi32, #tpu.memory_space<vmem>>
      %dma_start3A_81 = arith.constant 0 : i32
      %dma_start3A_82 = arith.constant 0 : i32
      %dma_start3A_83 = tpu.memref_slice %arg13[%dma_start3A_81, %dma_start3A_82] : memref<3200x16xf32, #tpu.memory_space<vmem_shared>> -> memref<3200x16xf32, #tpu.memory_space<vmem_shared>>
      tpu.enqueue_indirect_dma source(%dma_start3A_77 : memref<128x16xf32, #tpu.memory_space<vmem>>) target(%dma_start3A_83 : memref<3200x16xf32, #tpu.memory_space<vmem_shared>>) offsets(%dma_start3A_80 : memref<128xi32, #tpu.memory_space<vmem>>) semaphore(%run_scoped3A_75 : memref<!tpu.dma_semaphore, #tpu.memory_space<semaphore_mem>>) {add = true}
      %dma_wait3A = arith.constant 512 : i32
      %dma_wait3A_84 = arith.constant 0 : i32
      %dma_wait3A_85 = tpu.memref_slice %arg9[%dma_wait3A, %dma_wait3A_84] : memref<3200x16xf32, #tpu.memory_space<vmem>> -> memref<128x16xf32, #tpu.memory_space<vmem>>
      %dma_wait3A_86 = arith.constant 0 : i32
      %dma_wait3A_87 = tpu.memref_slice %arg11[%run_scoped3A_25, %dma_wait3A_86] : memref<25x128xi32, #tpu.memory_space<vmem>> -> memref<1x128xi32, #tpu.memory_space<vmem>>
      %dma_wait3A_88 = tpu.memref_squeeze %dma_wait3A_87 : memref<1x128xi32, #tpu.memory_space<vmem>> -> memref<128xi32, #tpu.memory_space<vmem>>
      %dma_wait3A_89 = arith.constant 0 : i32
      %dma_wait3A_90 = arith.constant 0 : i32
      %dma_wait3A_91 = tpu.memref_slice %arg13[%dma_wait3A_89, %dma_wait3A_90] : memref<3200x16xf32, #tpu.memory_space<vmem_shared>> -> memref<3200x16xf32, #tpu.memory_space<vmem_shared>>
      tpu.wait_indirect_dma semaphore(%run_scoped3A_75 : memref<!tpu.dma_semaphore, #tpu.memory_space<semaphore_mem>>) src(%dma_wait3A_85 : memref<128x16xf32, #tpu.memory_space<vmem>>) dst(%dma_wait3A_91 : memref<3200x16xf32, #tpu.memory_space<vmem_shared>>)
      tpu.yield
    }) : () -> ()
    %run_scoped3A_26 = arith.constant 5 : i32
    "tpu.region"() ({
      %run_scoped3A_75 = tpu.sem_alloc : memref<!tpu.dma_semaphore, #tpu.memory_space<semaphore_mem>>
      %dma_start3A = arith.constant 640 : i32
      %dma_start3A_76 = arith.constant 0 : i32
      %dma_start3A_77 = tpu.memref_slice %arg8[%dma_start3A, %dma_start3A_76] : memref<3200x16xf32, #tpu.memory_space<vmem>> -> memref<128x16xf32, #tpu.memory_space<vmem>>
      %dma_start3A_78 = arith.constant 0 : i32
      %dma_start3A_79 = tpu.memref_slice %arg11[%run_scoped3A_26, %dma_start3A_78] : memref<25x128xi32, #tpu.memory_space<vmem>> -> memref<1x128xi32, #tpu.memory_space<vmem>>
      %dma_start3A_80 = tpu.memref_squeeze %dma_start3A_79 : memref<1x128xi32, #tpu.memory_space<vmem>> -> memref<128xi32, #tpu.memory_space<vmem>>
      %dma_start3A_81 = arith.constant 0 : i32
      %dma_start3A_82 = arith.constant 0 : i32
      %dma_start3A_83 = tpu.memref_slice %arg12[%dma_start3A_81, %dma_start3A_82] : memref<3200x16xf32, #tpu.memory_space<vmem_shared>> -> memref<3200x16xf32, #tpu.memory_space<vmem_shared>>
      tpu.enqueue_indirect_dma source(%dma_start3A_77 : memref<128x16xf32, #tpu.memory_space<vmem>>) target(%dma_start3A_83 : memref<3200x16xf32, #tpu.memory_space<vmem_shared>>) offsets(%dma_start3A_80 : memref<128xi32, #tpu.memory_space<vmem>>) semaphore(%run_scoped3A_75 : memref<!tpu.dma_semaphore, #tpu.memory_space<semaphore_mem>>) {add = true}
      %dma_wait3A = arith.constant 640 : i32
      %dma_wait3A_84 = arith.constant 0 : i32
      %dma_wait3A_85 = tpu.memref_slice %arg8[%dma_wait3A, %dma_wait3A_84] : memref<3200x16xf32, #tpu.memory_space<vmem>> -> memref<128x16xf32, #tpu.memory_space<vmem>>
      %dma_wait3A_86 = arith.constant 0 : i32
      %dma_wait3A_87 = tpu.memref_slice %arg11[%run_scoped3A_26, %dma_wait3A_86] : memref<25x128xi32, #tpu.memory_space<vmem>> -> memref<1x128xi32, #tpu.memory_space<vmem>>
      %dma_wait3A_88 = tpu.memref_squeeze %dma_wait3A_87 : memref<1x128xi32, #tpu.memory_space<vmem>> -> memref<128xi32, #tpu.memory_space<vmem>>
      %dma_wait3A_89 = arith.constant 0 : i32
      %dma_wait3A_90 = arith.constant 0 : i32
      %dma_wait3A_91 = tpu.memref_slice %arg12[%dma_wait3A_89, %dma_wait3A_90] : memref<3200x16xf32, #tpu.memory_space<vmem_shared>> -> memref<3200x16xf32, #tpu.memory_space<vmem_shared>>
      tpu.wait_indirect_dma semaphore(%run_scoped3A_75 : memref<!tpu.dma_semaphore, #tpu.memory_space<semaphore_mem>>) src(%dma_wait3A_85 : memref<128x16xf32, #tpu.memory_space<vmem>>) dst(%dma_wait3A_91 : memref<3200x16xf32, #tpu.memory_space<vmem_shared>>)
      tpu.yield
    }) : () -> ()
    %run_scoped3A_27 = arith.constant 5 : i32
    "tpu.region"() ({
      %run_scoped3A_75 = tpu.sem_alloc : memref<!tpu.dma_semaphore, #tpu.memory_space<semaphore_mem>>
      %dma_start3A = arith.constant 640 : i32
      %dma_start3A_76 = arith.constant 0 : i32
      %dma_start3A_77 = tpu.memref_slice %arg9[%dma_start3A, %dma_start3A_76] : memref<3200x16xf32, #tpu.memory_space<vmem>> -> memref<128x16xf32, #tpu.memory_space<vmem>>
      %dma_start3A_78 = arith.constant 0 : i32
      %dma_start3A_79 = tpu.memref_slice %arg11[%run_scoped3A_27, %dma_start3A_78] : memref<25x128xi32, #tpu.memory_space<vmem>> -> memref<1x128xi32, #tpu.memory_space<vmem>>
      %dma_start3A_80 = tpu.memref_squeeze %dma_start3A_79 : memref<1x128xi32, #tpu.memory_space<vmem>> -> memref<128xi32, #tpu.memory_space<vmem>>
      %dma_start3A_81 = arith.constant 0 : i32
      %dma_start3A_82 = arith.constant 0 : i32
      %dma_start3A_83 = tpu.memref_slice %arg13[%dma_start3A_81, %dma_start3A_82] : memref<3200x16xf32, #tpu.memory_space<vmem_shared>> -> memref<3200x16xf32, #tpu.memory_space<vmem_shared>>
      tpu.enqueue_indirect_dma source(%dma_start3A_77 : memref<128x16xf32, #tpu.memory_space<vmem>>) target(%dma_start3A_83 : memref<3200x16xf32, #tpu.memory_space<vmem_shared>>) offsets(%dma_start3A_80 : memref<128xi32, #tpu.memory_space<vmem>>) semaphore(%run_scoped3A_75 : memref<!tpu.dma_semaphore, #tpu.memory_space<semaphore_mem>>) {add = true}
      %dma_wait3A = arith.constant 640 : i32
      %dma_wait3A_84 = arith.constant 0 : i32
      %dma_wait3A_85 = tpu.memref_slice %arg9[%dma_wait3A, %dma_wait3A_84] : memref<3200x16xf32, #tpu.memory_space<vmem>> -> memref<128x16xf32, #tpu.memory_space<vmem>>
      %dma_wait3A_86 = arith.constant 0 : i32
      %dma_wait3A_87 = tpu.memref_slice %arg11[%run_scoped3A_27, %dma_wait3A_86] : memref<25x128xi32, #tpu.memory_space<vmem>> -> memref<1x128xi32, #tpu.memory_space<vmem>>
      %dma_wait3A_88 = tpu.memref_squeeze %dma_wait3A_87 : memref<1x128xi32, #tpu.memory_space<vmem>> -> memref<128xi32, #tpu.memory_space<vmem>>
      %dma_wait3A_89 = arith.constant 0 : i32
      %dma_wait3A_90 = arith.constant 0 : i32
      %dma_wait3A_91 = tpu.memref_slice %arg13[%dma_wait3A_89, %dma_wait3A_90] : memref<3200x16xf32, #tpu.memory_space<vmem_shared>> -> memref<3200x16xf32, #tpu.memory_space<vmem_shared>>
      tpu.wait_indirect_dma semaphore(%run_scoped3A_75 : memref<!tpu.dma_semaphore, #tpu.memory_space<semaphore_mem>>) src(%dma_wait3A_85 : memref<128x16xf32, #tpu.memory_space<vmem>>) dst(%dma_wait3A_91 : memref<3200x16xf32, #tpu.memory_space<vmem_shared>>)
      tpu.yield
    }) : () -> ()
    %run_scoped3A_28 = arith.constant 6 : i32
    "tpu.region"() ({
      %run_scoped3A_75 = tpu.sem_alloc : memref<!tpu.dma_semaphore, #tpu.memory_space<semaphore_mem>>
      %dma_start3A = arith.constant 768 : i32
      %dma_start3A_76 = arith.constant 0 : i32
      %dma_start3A_77 = tpu.memref_slice %arg8[%dma_start3A, %dma_start3A_76] : memref<3200x16xf32, #tpu.memory_space<vmem>> -> memref<128x16xf32, #tpu.memory_space<vmem>>
      %dma_start3A_78 = arith.constant 0 : i32
      %dma_start3A_79 = tpu.memref_slice %arg11[%run_scoped3A_28, %dma_start3A_78] : memref<25x128xi32, #tpu.memory_space<vmem>> -> memref<1x128xi32, #tpu.memory_space<vmem>>
      %dma_start3A_80 = tpu.memref_squeeze %dma_start3A_79 : memref<1x128xi32, #tpu.memory_space<vmem>> -> memref<128xi32, #tpu.memory_space<vmem>>
      %dma_start3A_81 = arith.constant 0 : i32
      %dma_start3A_82 = arith.constant 0 : i32
      %dma_start3A_83 = tpu.memref_slice %arg12[%dma_start3A_81, %dma_start3A_82] : memref<3200x16xf32, #tpu.memory_space<vmem_shared>> -> memref<3200x16xf32, #tpu.memory_space<vmem_shared>>
      tpu.enqueue_indirect_dma source(%dma_start3A_77 : memref<128x16xf32, #tpu.memory_space<vmem>>) target(%dma_start3A_83 : memref<3200x16xf32, #tpu.memory_space<vmem_shared>>) offsets(%dma_start3A_80 : memref<128xi32, #tpu.memory_space<vmem>>) semaphore(%run_scoped3A_75 : memref<!tpu.dma_semaphore, #tpu.memory_space<semaphore_mem>>) {add = true}
      %dma_wait3A = arith.constant 768 : i32
      %dma_wait3A_84 = arith.constant 0 : i32
      %dma_wait3A_85 = tpu.memref_slice %arg8[%dma_wait3A, %dma_wait3A_84] : memref<3200x16xf32, #tpu.memory_space<vmem>> -> memref<128x16xf32, #tpu.memory_space<vmem>>
      %dma_wait3A_86 = arith.constant 0 : i32
      %dma_wait3A_87 = tpu.memref_slice %arg11[%run_scoped3A_28, %dma_wait3A_86] : memref<25x128xi32, #tpu.memory_space<vmem>> -> memref<1x128xi32, #tpu.memory_space<vmem>>
      %dma_wait3A_88 = tpu.memref_squeeze %dma_wait3A_87 : memref<1x128xi32, #tpu.memory_space<vmem>> -> memref<128xi32, #tpu.memory_space<vmem>>
      %dma_wait3A_89 = arith.constant 0 : i32
      %dma_wait3A_90 = arith.constant 0 : i32
      %dma_wait3A_91 = tpu.memref_slice %arg12[%dma_wait3A_89, %dma_wait3A_90] : memref<3200x16xf32, #tpu.memory_space<vmem_shared>> -> memref<3200x16xf32, #tpu.memory_space<vmem_shared>>
      tpu.wait_indirect_dma semaphore(%run_scoped3A_75 : memref<!tpu.dma_semaphore, #tpu.memory_space<semaphore_mem>>) src(%dma_wait3A_85 : memref<128x16xf32, #tpu.memory_space<vmem>>) dst(%dma_wait3A_91 : memref<3200x16xf32, #tpu.memory_space<vmem_shared>>)
      tpu.yield
    }) : () -> ()
    %run_scoped3A_29 = arith.constant 6 : i32
    "tpu.region"() ({
      %run_scoped3A_75 = tpu.sem_alloc : memref<!tpu.dma_semaphore, #tpu.memory_space<semaphore_mem>>
      %dma_start3A = arith.constant 768 : i32
      %dma_start3A_76 = arith.constant 0 : i32
      %dma_start3A_77 = tpu.memref_slice %arg9[%dma_start3A, %dma_start3A_76] : memref<3200x16xf32, #tpu.memory_space<vmem>> -> memref<128x16xf32, #tpu.memory_space<vmem>>
      %dma_start3A_78 = arith.constant 0 : i32
      %dma_start3A_79 = tpu.memref_slice %arg11[%run_scoped3A_29, %dma_start3A_78] : memref<25x128xi32, #tpu.memory_space<vmem>> -> memref<1x128xi32, #tpu.memory_space<vmem>>
      %dma_start3A_80 = tpu.memref_squeeze %dma_start3A_79 : memref<1x128xi32, #tpu.memory_space<vmem>> -> memref<128xi32, #tpu.memory_space<vmem>>
      %dma_start3A_81 = arith.constant 0 : i32
      %dma_start3A_82 = arith.constant 0 : i32
      %dma_start3A_83 = tpu.memref_slice %arg13[%dma_start3A_81, %dma_start3A_82] : memref<3200x16xf32, #tpu.memory_space<vmem_shared>> -> memref<3200x16xf32, #tpu.memory_space<vmem_shared>>
      tpu.enqueue_indirect_dma source(%dma_start3A_77 : memref<128x16xf32, #tpu.memory_space<vmem>>) target(%dma_start3A_83 : memref<3200x16xf32, #tpu.memory_space<vmem_shared>>) offsets(%dma_start3A_80 : memref<128xi32, #tpu.memory_space<vmem>>) semaphore(%run_scoped3A_75 : memref<!tpu.dma_semaphore, #tpu.memory_space<semaphore_mem>>) {add = true}
      %dma_wait3A = arith.constant 768 : i32
      %dma_wait3A_84 = arith.constant 0 : i32
      %dma_wait3A_85 = tpu.memref_slice %arg9[%dma_wait3A, %dma_wait3A_84] : memref<3200x16xf32, #tpu.memory_space<vmem>> -> memref<128x16xf32, #tpu.memory_space<vmem>>
      %dma_wait3A_86 = arith.constant 0 : i32
      %dma_wait3A_87 = tpu.memref_slice %arg11[%run_scoped3A_29, %dma_wait3A_86] : memref<25x128xi32, #tpu.memory_space<vmem>> -> memref<1x128xi32, #tpu.memory_space<vmem>>
      %dma_wait3A_88 = tpu.memref_squeeze %dma_wait3A_87 : memref<1x128xi32, #tpu.memory_space<vmem>> -> memref<128xi32, #tpu.memory_space<vmem>>
      %dma_wait3A_89 = arith.constant 0 : i32
      %dma_wait3A_90 = arith.constant 0 : i32
      %dma_wait3A_91 = tpu.memref_slice %arg13[%dma_wait3A_89, %dma_wait3A_90] : memref<3200x16xf32, #tpu.memory_space<vmem_shared>> -> memref<3200x16xf32, #tpu.memory_space<vmem_shared>>
      tpu.wait_indirect_dma semaphore(%run_scoped3A_75 : memref<!tpu.dma_semaphore, #tpu.memory_space<semaphore_mem>>) src(%dma_wait3A_85 : memref<128x16xf32, #tpu.memory_space<vmem>>) dst(%dma_wait3A_91 : memref<3200x16xf32, #tpu.memory_space<vmem_shared>>)
      tpu.yield
    }) : () -> ()
    %run_scoped3A_30 = arith.constant 7 : i32
    "tpu.region"() ({
      %run_scoped3A_75 = tpu.sem_alloc : memref<!tpu.dma_semaphore, #tpu.memory_space<semaphore_mem>>
      %dma_start3A = arith.constant 896 : i32
      %dma_start3A_76 = arith.constant 0 : i32
      %dma_start3A_77 = tpu.memref_slice %arg8[%dma_start3A, %dma_start3A_76] : memref<3200x16xf32, #tpu.memory_space<vmem>> -> memref<128x16xf32, #tpu.memory_space<vmem>>
      %dma_start3A_78 = arith.constant 0 : i32
      %dma_start3A_79 = tpu.memref_slice %arg11[%run_scoped3A_30, %dma_start3A_78] : memref<25x128xi32, #tpu.memory_space<vmem>> -> memref<1x128xi32, #tpu.memory_space<vmem>>
      %dma_start3A_80 = tpu.memref_squeeze %dma_start3A_79 : memref<1x128xi32, #tpu.memory_space<vmem>> -> memref<128xi32, #tpu.memory_space<vmem>>
      %dma_start3A_81 = arith.constant 0 : i32
      %dma_start3A_82 = arith.constant 0 : i32
      %dma_start3A_83 = tpu.memref_slice %arg12[%dma_start3A_81, %dma_start3A_82] : memref<3200x16xf32, #tpu.memory_space<vmem_shared>> -> memref<3200x16xf32, #tpu.memory_space<vmem_shared>>
      tpu.enqueue_indirect_dma source(%dma_start3A_77 : memref<128x16xf32, #tpu.memory_space<vmem>>) target(%dma_start3A_83 : memref<3200x16xf32, #tpu.memory_space<vmem_shared>>) offsets(%dma_start3A_80 : memref<128xi32, #tpu.memory_space<vmem>>) semaphore(%run_scoped3A_75 : memref<!tpu.dma_semaphore, #tpu.memory_space<semaphore_mem>>) {add = true}
      %dma_wait3A = arith.constant 896 : i32
      %dma_wait3A_84 = arith.constant 0 : i32
      %dma_wait3A_85 = tpu.memref_slice %arg8[%dma_wait3A, %dma_wait3A_84] : memref<3200x16xf32, #tpu.memory_space<vmem>> -> memref<128x16xf32, #tpu.memory_space<vmem>>
      %dma_wait3A_86 = arith.constant 0 : i32
      %dma_wait3A_87 = tpu.memref_slice %arg11[%run_scoped3A_30, %dma_wait3A_86] : memref<25x128xi32, #tpu.memory_space<vmem>> -> memref<1x128xi32, #tpu.memory_space<vmem>>
      %dma_wait3A_88 = tpu.memref_squeeze %dma_wait3A_87 : memref<1x128xi32, #tpu.memory_space<vmem>> -> memref<128xi32, #tpu.memory_space<vmem>>
      %dma_wait3A_89 = arith.constant 0 : i32
      %dma_wait3A_90 = arith.constant 0 : i32
      %dma_wait3A_91 = tpu.memref_slice %arg12[%dma_wait3A_89, %dma_wait3A_90] : memref<3200x16xf32, #tpu.memory_space<vmem_shared>> -> memref<3200x16xf32, #tpu.memory_space<vmem_shared>>
      tpu.wait_indirect_dma semaphore(%run_scoped3A_75 : memref<!tpu.dma_semaphore, #tpu.memory_space<semaphore_mem>>) src(%dma_wait3A_85 : memref<128x16xf32, #tpu.memory_space<vmem>>) dst(%dma_wait3A_91 : memref<3200x16xf32, #tpu.memory_space<vmem_shared>>)
      tpu.yield
    }) : () -> ()
    %run_scoped3A_31 = arith.constant 7 : i32
    "tpu.region"() ({
      %run_scoped3A_75 = tpu.sem_alloc : memref<!tpu.dma_semaphore, #tpu.memory_space<semaphore_mem>>
      %dma_start3A = arith.constant 896 : i32
      %dma_start3A_76 = arith.constant 0 : i32
      %dma_start3A_77 = tpu.memref_slice %arg9[%dma_start3A, %dma_start3A_76] : memref<3200x16xf32, #tpu.memory_space<vmem>> -> memref<128x16xf32, #tpu.memory_space<vmem>>
      %dma_start3A_78 = arith.constant 0 : i32
      %dma_start3A_79 = tpu.memref_slice %arg11[%run_scoped3A_31, %dma_start3A_78] : memref<25x128xi32, #tpu.memory_space<vmem>> -> memref<1x128xi32, #tpu.memory_space<vmem>>
      %dma_start3A_80 = tpu.memref_squeeze %dma_start3A_79 : memref<1x128xi32, #tpu.memory_space<vmem>> -> memref<128xi32, #tpu.memory_space<vmem>>
      %dma_start3A_81 = arith.constant 0 : i32
      %dma_start3A_82 = arith.constant 0 : i32
      %dma_start3A_83 = tpu.memref_slice %arg13[%dma_start3A_81, %dma_start3A_82] : memref<3200x16xf32, #tpu.memory_space<vmem_shared>> -> memref<3200x16xf32, #tpu.memory_space<vmem_shared>>
      tpu.enqueue_indirect_dma source(%dma_start3A_77 : memref<128x16xf32, #tpu.memory_space<vmem>>) target(%dma_start3A_83 : memref<3200x16xf32, #tpu.memory_space<vmem_shared>>) offsets(%dma_start3A_80 : memref<128xi32, #tpu.memory_space<vmem>>) semaphore(%run_scoped3A_75 : memref<!tpu.dma_semaphore, #tpu.memory_space<semaphore_mem>>) {add = true}
      %dma_wait3A = arith.constant 896 : i32
      %dma_wait3A_84 = arith.constant 0 : i32
      %dma_wait3A_85 = tpu.memref_slice %arg9[%dma_wait3A, %dma_wait3A_84] : memref<3200x16xf32, #tpu.memory_space<vmem>> -> memref<128x16xf32, #tpu.memory_space<vmem>>
      %dma_wait3A_86 = arith.constant 0 : i32
      %dma_wait3A_87 = tpu.memref_slice %arg11[%run_scoped3A_31, %dma_wait3A_86] : memref<25x128xi32, #tpu.memory_space<vmem>> -> memref<1x128xi32, #tpu.memory_space<vmem>>
      %dma_wait3A_88 = tpu.memref_squeeze %dma_wait3A_87 : memref<1x128xi32, #tpu.memory_space<vmem>> -> memref<128xi32, #tpu.memory_space<vmem>>
      %dma_wait3A_89 = arith.constant 0 : i32
      %dma_wait3A_90 = arith.constant 0 : i32
      %dma_wait3A_91 = tpu.memref_slice %arg13[%dma_wait3A_89, %dma_wait3A_90] : memref<3200x16xf32, #tpu.memory_space<vmem_shared>> -> memref<3200x16xf32, #tpu.memory_space<vmem_shared>>
      tpu.wait_indirect_dma semaphore(%run_scoped3A_75 : memref<!tpu.dma_semaphore, #tpu.memory_space<semaphore_mem>>) src(%dma_wait3A_85 : memref<128x16xf32, #tpu.memory_space<vmem>>) dst(%dma_wait3A_91 : memref<3200x16xf32, #tpu.memory_space<vmem_shared>>)
      tpu.yield
    }) : () -> ()
    %run_scoped3A_32 = arith.constant 8 : i32
    "tpu.region"() ({
      %run_scoped3A_75 = tpu.sem_alloc : memref<!tpu.dma_semaphore, #tpu.memory_space<semaphore_mem>>
      %dma_start3A = arith.constant 1024 : i32
      %dma_start3A_76 = arith.constant 0 : i32
      %dma_start3A_77 = tpu.memref_slice %arg8[%dma_start3A, %dma_start3A_76] : memref<3200x16xf32, #tpu.memory_space<vmem>> -> memref<128x16xf32, #tpu.memory_space<vmem>>
      %dma_start3A_78 = arith.constant 0 : i32
      %dma_start3A_79 = tpu.memref_slice %arg11[%run_scoped3A_32, %dma_start3A_78] : memref<25x128xi32, #tpu.memory_space<vmem>> -> memref<1x128xi32, #tpu.memory_space<vmem>>
      %dma_start3A_80 = tpu.memref_squeeze %dma_start3A_79 : memref<1x128xi32, #tpu.memory_space<vmem>> -> memref<128xi32, #tpu.memory_space<vmem>>
      %dma_start3A_81 = arith.constant 0 : i32
      %dma_start3A_82 = arith.constant 0 : i32
      %dma_start3A_83 = tpu.memref_slice %arg12[%dma_start3A_81, %dma_start3A_82] : memref<3200x16xf32, #tpu.memory_space<vmem_shared>> -> memref<3200x16xf32, #tpu.memory_space<vmem_shared>>
      tpu.enqueue_indirect_dma source(%dma_start3A_77 : memref<128x16xf32, #tpu.memory_space<vmem>>) target(%dma_start3A_83 : memref<3200x16xf32, #tpu.memory_space<vmem_shared>>) offsets(%dma_start3A_80 : memref<128xi32, #tpu.memory_space<vmem>>) semaphore(%run_scoped3A_75 : memref<!tpu.dma_semaphore, #tpu.memory_space<semaphore_mem>>) {add = true}
      %dma_wait3A = arith.constant 1024 : i32
      %dma_wait3A_84 = arith.constant 0 : i32
      %dma_wait3A_85 = tpu.memref_slice %arg8[%dma_wait3A, %dma_wait3A_84] : memref<3200x16xf32, #tpu.memory_space<vmem>> -> memref<128x16xf32, #tpu.memory_space<vmem>>
      %dma_wait3A_86 = arith.constant 0 : i32
      %dma_wait3A_87 = tpu.memref_slice %arg11[%run_scoped3A_32, %dma_wait3A_86] : memref<25x128xi32, #tpu.memory_space<vmem>> -> memref<1x128xi32, #tpu.memory_space<vmem>>
      %dma_wait3A_88 = tpu.memref_squeeze %dma_wait3A_87 : memref<1x128xi32, #tpu.memory_space<vmem>> -> memref<128xi32, #tpu.memory_space<vmem>>
      %dma_wait3A_89 = arith.constant 0 : i32
      %dma_wait3A_90 = arith.constant 0 : i32
      %dma_wait3A_91 = tpu.memref_slice %arg12[%dma_wait3A_89, %dma_wait3A_90] : memref<3200x16xf32, #tpu.memory_space<vmem_shared>> -> memref<3200x16xf32, #tpu.memory_space<vmem_shared>>
      tpu.wait_indirect_dma semaphore(%run_scoped3A_75 : memref<!tpu.dma_semaphore, #tpu.memory_space<semaphore_mem>>) src(%dma_wait3A_85 : memref<128x16xf32, #tpu.memory_space<vmem>>) dst(%dma_wait3A_91 : memref<3200x16xf32, #tpu.memory_space<vmem_shared>>)
      tpu.yield
    }) : () -> ()
    %run_scoped3A_33 = arith.constant 8 : i32
    "tpu.region"() ({
      %run_scoped3A_75 = tpu.sem_alloc : memref<!tpu.dma_semaphore, #tpu.memory_space<semaphore_mem>>
      %dma_start3A = arith.constant 1024 : i32
      %dma_start3A_76 = arith.constant 0 : i32
      %dma_start3A_77 = tpu.memref_slice %arg9[%dma_start3A, %dma_start3A_76] : memref<3200x16xf32, #tpu.memory_space<vmem>> -> memref<128x16xf32, #tpu.memory_space<vmem>>
      %dma_start3A_78 = arith.constant 0 : i32
      %dma_start3A_79 = tpu.memref_slice %arg11[%run_scoped3A_33, %dma_start3A_78] : memref<25x128xi32, #tpu.memory_space<vmem>> -> memref<1x128xi32, #tpu.memory_space<vmem>>
      %dma_start3A_80 = tpu.memref_squeeze %dma_start3A_79 : memref<1x128xi32, #tpu.memory_space<vmem>> -> memref<128xi32, #tpu.memory_space<vmem>>
      %dma_start3A_81 = arith.constant 0 : i32
      %dma_start3A_82 = arith.constant 0 : i32
      %dma_start3A_83 = tpu.memref_slice %arg13[%dma_start3A_81, %dma_start3A_82] : memref<3200x16xf32, #tpu.memory_space<vmem_shared>> -> memref<3200x16xf32, #tpu.memory_space<vmem_shared>>
      tpu.enqueue_indirect_dma source(%dma_start3A_77 : memref<128x16xf32, #tpu.memory_space<vmem>>) target(%dma_start3A_83 : memref<3200x16xf32, #tpu.memory_space<vmem_shared>>) offsets(%dma_start3A_80 : memref<128xi32, #tpu.memory_space<vmem>>) semaphore(%run_scoped3A_75 : memref<!tpu.dma_semaphore, #tpu.memory_space<semaphore_mem>>) {add = true}
      %dma_wait3A = arith.constant 1024 : i32
      %dma_wait3A_84 = arith.constant 0 : i32
      %dma_wait3A_85 = tpu.memref_slice %arg9[%dma_wait3A, %dma_wait3A_84] : memref<3200x16xf32, #tpu.memory_space<vmem>> -> memref<128x16xf32, #tpu.memory_space<vmem>>
      %dma_wait3A_86 = arith.constant 0 : i32
      %dma_wait3A_87 = tpu.memref_slice %arg11[%run_scoped3A_33, %dma_wait3A_86] : memref<25x128xi32, #tpu.memory_space<vmem>> -> memref<1x128xi32, #tpu.memory_space<vmem>>
      %dma_wait3A_88 = tpu.memref_squeeze %dma_wait3A_87 : memref<1x128xi32, #tpu.memory_space<vmem>> -> memref<128xi32, #tpu.memory_space<vmem>>
      %dma_wait3A_89 = arith.constant 0 : i32
      %dma_wait3A_90 = arith.constant 0 : i32
      %dma_wait3A_91 = tpu.memref_slice %arg13[%dma_wait3A_89, %dma_wait3A_90] : memref<3200x16xf32, #tpu.memory_space<vmem_shared>> -> memref<3200x16xf32, #tpu.memory_space<vmem_shared>>
      tpu.wait_indirect_dma semaphore(%run_scoped3A_75 : memref<!tpu.dma_semaphore, #tpu.memory_space<semaphore_mem>>) src(%dma_wait3A_85 : memref<128x16xf32, #tpu.memory_space<vmem>>) dst(%dma_wait3A_91 : memref<3200x16xf32, #tpu.memory_space<vmem_shared>>)
      tpu.yield
    }) : () -> ()
    %run_scoped3A_34 = arith.constant 9 : i32
    "tpu.region"() ({
      %run_scoped3A_75 = tpu.sem_alloc : memref<!tpu.dma_semaphore, #tpu.memory_space<semaphore_mem>>
      %dma_start3A = arith.constant 1152 : i32
      %dma_start3A_76 = arith.constant 0 : i32
      %dma_start3A_77 = tpu.memref_slice %arg8[%dma_start3A, %dma_start3A_76] : memref<3200x16xf32, #tpu.memory_space<vmem>> -> memref<128x16xf32, #tpu.memory_space<vmem>>
      %dma_start3A_78 = arith.constant 0 : i32
      %dma_start3A_79 = tpu.memref_slice %arg11[%run_scoped3A_34, %dma_start3A_78] : memref<25x128xi32, #tpu.memory_space<vmem>> -> memref<1x128xi32, #tpu.memory_space<vmem>>
      %dma_start3A_80 = tpu.memref_squeeze %dma_start3A_79 : memref<1x128xi32, #tpu.memory_space<vmem>> -> memref<128xi32, #tpu.memory_space<vmem>>
      %dma_start3A_81 = arith.constant 0 : i32
      %dma_start3A_82 = arith.constant 0 : i32
      %dma_start3A_83 = tpu.memref_slice %arg12[%dma_start3A_81, %dma_start3A_82] : memref<3200x16xf32, #tpu.memory_space<vmem_shared>> -> memref<3200x16xf32, #tpu.memory_space<vmem_shared>>
      tpu.enqueue_indirect_dma source(%dma_start3A_77 : memref<128x16xf32, #tpu.memory_space<vmem>>) target(%dma_start3A_83 : memref<3200x16xf32, #tpu.memory_space<vmem_shared>>) offsets(%dma_start3A_80 : memref<128xi32, #tpu.memory_space<vmem>>) semaphore(%run_scoped3A_75 : memref<!tpu.dma_semaphore, #tpu.memory_space<semaphore_mem>>) {add = true}
      %dma_wait3A = arith.constant 1152 : i32
      %dma_wait3A_84 = arith.constant 0 : i32
      %dma_wait3A_85 = tpu.memref_slice %arg8[%dma_wait3A, %dma_wait3A_84] : memref<3200x16xf32, #tpu.memory_space<vmem>> -> memref<128x16xf32, #tpu.memory_space<vmem>>
      %dma_wait3A_86 = arith.constant 0 : i32
      %dma_wait3A_87 = tpu.memref_slice %arg11[%run_scoped3A_34, %dma_wait3A_86] : memref<25x128xi32, #tpu.memory_space<vmem>> -> memref<1x128xi32, #tpu.memory_space<vmem>>
      %dma_wait3A_88 = tpu.memref_squeeze %dma_wait3A_87 : memref<1x128xi32, #tpu.memory_space<vmem>> -> memref<128xi32, #tpu.memory_space<vmem>>
      %dma_wait3A_89 = arith.constant 0 : i32
      %dma_wait3A_90 = arith.constant 0 : i32
      %dma_wait3A_91 = tpu.memref_slice %arg12[%dma_wait3A_89, %dma_wait3A_90] : memref<3200x16xf32, #tpu.memory_space<vmem_shared>> -> memref<3200x16xf32, #tpu.memory_space<vmem_shared>>
      tpu.wait_indirect_dma semaphore(%run_scoped3A_75 : memref<!tpu.dma_semaphore, #tpu.memory_space<semaphore_mem>>) src(%dma_wait3A_85 : memref<128x16xf32, #tpu.memory_space<vmem>>) dst(%dma_wait3A_91 : memref<3200x16xf32, #tpu.memory_space<vmem_shared>>)
      tpu.yield
    }) : () -> ()
    %run_scoped3A_35 = arith.constant 9 : i32
    "tpu.region"() ({
      %run_scoped3A_75 = tpu.sem_alloc : memref<!tpu.dma_semaphore, #tpu.memory_space<semaphore_mem>>
      %dma_start3A = arith.constant 1152 : i32
      %dma_start3A_76 = arith.constant 0 : i32
      %dma_start3A_77 = tpu.memref_slice %arg9[%dma_start3A, %dma_start3A_76] : memref<3200x16xf32, #tpu.memory_space<vmem>> -> memref<128x16xf32, #tpu.memory_space<vmem>>
      %dma_start3A_78 = arith.constant 0 : i32
      %dma_start3A_79 = tpu.memref_slice %arg11[%run_scoped3A_35, %dma_start3A_78] : memref<25x128xi32, #tpu.memory_space<vmem>> -> memref<1x128xi32, #tpu.memory_space<vmem>>
      %dma_start3A_80 = tpu.memref_squeeze %dma_start3A_79 : memref<1x128xi32, #tpu.memory_space<vmem>> -> memref<128xi32, #tpu.memory_space<vmem>>
      %dma_start3A_81 = arith.constant 0 : i32
      %dma_start3A_82 = arith.constant 0 : i32
      %dma_start3A_83 = tpu.memref_slice %arg13[%dma_start3A_81, %dma_start3A_82] : memref<3200x16xf32, #tpu.memory_space<vmem_shared>> -> memref<3200x16xf32, #tpu.memory_space<vmem_shared>>
      tpu.enqueue_indirect_dma source(%dma_start3A_77 : memref<128x16xf32, #tpu.memory_space<vmem>>) target(%dma_start3A_83 : memref<3200x16xf32, #tpu.memory_space<vmem_shared>>) offsets(%dma_start3A_80 : memref<128xi32, #tpu.memory_space<vmem>>) semaphore(%run_scoped3A_75 : memref<!tpu.dma_semaphore, #tpu.memory_space<semaphore_mem>>) {add = true}
      %dma_wait3A = arith.constant 1152 : i32
      %dma_wait3A_84 = arith.constant 0 : i32
      %dma_wait3A_85 = tpu.memref_slice %arg9[%dma_wait3A, %dma_wait3A_84] : memref<3200x16xf32, #tpu.memory_space<vmem>> -> memref<128x16xf32, #tpu.memory_space<vmem>>
      %dma_wait3A_86 = arith.constant 0 : i32
      %dma_wait3A_87 = tpu.memref_slice %arg11[%run_scoped3A_35, %dma_wait3A_86] : memref<25x128xi32, #tpu.memory_space<vmem>> -> memref<1x128xi32, #tpu.memory_space<vmem>>
      %dma_wait3A_88 = tpu.memref_squeeze %dma_wait3A_87 : memref<1x128xi32, #tpu.memory_space<vmem>> -> memref<128xi32, #tpu.memory_space<vmem>>
      %dma_wait3A_89 = arith.constant 0 : i32
      %dma_wait3A_90 = arith.constant 0 : i32
      %dma_wait3A_91 = tpu.memref_slice %arg13[%dma_wait3A_89, %dma_wait3A_90] : memref<3200x16xf32, #tpu.memory_space<vmem_shared>> -> memref<3200x16xf32, #tpu.memory_space<vmem_shared>>
      tpu.wait_indirect_dma semaphore(%run_scoped3A_75 : memref<!tpu.dma_semaphore, #tpu.memory_space<semaphore_mem>>) src(%dma_wait3A_85 : memref<128x16xf32, #tpu.memory_space<vmem>>) dst(%dma_wait3A_91 : memref<3200x16xf32, #tpu.memory_space<vmem_shared>>)
      tpu.yield
    }) : () -> ()
    %run_scoped3A_36 = arith.constant 10 : i32
    "tpu.region"() ({
      %run_scoped3A_75 = tpu.sem_alloc : memref<!tpu.dma_semaphore, #tpu.memory_space<semaphore_mem>>
      %dma_start3A = arith.constant 1280 : i32
      %dma_start3A_76 = arith.constant 0 : i32
      %dma_start3A_77 = tpu.memref_slice %arg8[%dma_start3A, %dma_start3A_76] : memref<3200x16xf32, #tpu.memory_space<vmem>> -> memref<128x16xf32, #tpu.memory_space<vmem>>
      %dma_start3A_78 = arith.constant 0 : i32
      %dma_start3A_79 = tpu.memref_slice %arg11[%run_scoped3A_36, %dma_start3A_78] : memref<25x128xi32, #tpu.memory_space<vmem>> -> memref<1x128xi32, #tpu.memory_space<vmem>>
      %dma_start3A_80 = tpu.memref_squeeze %dma_start3A_79 : memref<1x128xi32, #tpu.memory_space<vmem>> -> memref<128xi32, #tpu.memory_space<vmem>>
      %dma_start3A_81 = arith.constant 0 : i32
      %dma_start3A_82 = arith.constant 0 : i32
      %dma_start3A_83 = tpu.memref_slice %arg12[%dma_start3A_81, %dma_start3A_82] : memref<3200x16xf32, #tpu.memory_space<vmem_shared>> -> memref<3200x16xf32, #tpu.memory_space<vmem_shared>>
      tpu.enqueue_indirect_dma source(%dma_start3A_77 : memref<128x16xf32, #tpu.memory_space<vmem>>) target(%dma_start3A_83 : memref<3200x16xf32, #tpu.memory_space<vmem_shared>>) offsets(%dma_start3A_80 : memref<128xi32, #tpu.memory_space<vmem>>) semaphore(%run_scoped3A_75 : memref<!tpu.dma_semaphore, #tpu.memory_space<semaphore_mem>>) {add = true}
      %dma_wait3A = arith.constant 1280 : i32
      %dma_wait3A_84 = arith.constant 0 : i32
      %dma_wait3A_85 = tpu.memref_slice %arg8[%dma_wait3A, %dma_wait3A_84] : memref<3200x16xf32, #tpu.memory_space<vmem>> -> memref<128x16xf32, #tpu.memory_space<vmem>>
      %dma_wait3A_86 = arith.constant 0 : i32
      %dma_wait3A_87 = tpu.memref_slice %arg11[%run_scoped3A_36, %dma_wait3A_86] : memref<25x128xi32, #tpu.memory_space<vmem>> -> memref<1x128xi32, #tpu.memory_space<vmem>>
      %dma_wait3A_88 = tpu.memref_squeeze %dma_wait3A_87 : memref<1x128xi32, #tpu.memory_space<vmem>> -> memref<128xi32, #tpu.memory_space<vmem>>
      %dma_wait3A_89 = arith.constant 0 : i32
      %dma_wait3A_90 = arith.constant 0 : i32
      %dma_wait3A_91 = tpu.memref_slice %arg12[%dma_wait3A_89, %dma_wait3A_90] : memref<3200x16xf32, #tpu.memory_space<vmem_shared>> -> memref<3200x16xf32, #tpu.memory_space<vmem_shared>>
      tpu.wait_indirect_dma semaphore(%run_scoped3A_75 : memref<!tpu.dma_semaphore, #tpu.memory_space<semaphore_mem>>) src(%dma_wait3A_85 : memref<128x16xf32, #tpu.memory_space<vmem>>) dst(%dma_wait3A_91 : memref<3200x16xf32, #tpu.memory_space<vmem_shared>>)
      tpu.yield
    }) : () -> ()
    %run_scoped3A_37 = arith.constant 10 : i32
    "tpu.region"() ({
      %run_scoped3A_75 = tpu.sem_alloc : memref<!tpu.dma_semaphore, #tpu.memory_space<semaphore_mem>>
      %dma_start3A = arith.constant 1280 : i32
      %dma_start3A_76 = arith.constant 0 : i32
      %dma_start3A_77 = tpu.memref_slice %arg9[%dma_start3A, %dma_start3A_76] : memref<3200x16xf32, #tpu.memory_space<vmem>> -> memref<128x16xf32, #tpu.memory_space<vmem>>
      %dma_start3A_78 = arith.constant 0 : i32
      %dma_start3A_79 = tpu.memref_slice %arg11[%run_scoped3A_37, %dma_start3A_78] : memref<25x128xi32, #tpu.memory_space<vmem>> -> memref<1x128xi32, #tpu.memory_space<vmem>>
      %dma_start3A_80 = tpu.memref_squeeze %dma_start3A_79 : memref<1x128xi32, #tpu.memory_space<vmem>> -> memref<128xi32, #tpu.memory_space<vmem>>
      %dma_start3A_81 = arith.constant 0 : i32
      %dma_start3A_82 = arith.constant 0 : i32
      %dma_start3A_83 = tpu.memref_slice %arg13[%dma_start3A_81, %dma_start3A_82] : memref<3200x16xf32, #tpu.memory_space<vmem_shared>> -> memref<3200x16xf32, #tpu.memory_space<vmem_shared>>
      tpu.enqueue_indirect_dma source(%dma_start3A_77 : memref<128x16xf32, #tpu.memory_space<vmem>>) target(%dma_start3A_83 : memref<3200x16xf32, #tpu.memory_space<vmem_shared>>) offsets(%dma_start3A_80 : memref<128xi32, #tpu.memory_space<vmem>>) semaphore(%run_scoped3A_75 : memref<!tpu.dma_semaphore, #tpu.memory_space<semaphore_mem>>) {add = true}
      %dma_wait3A = arith.constant 1280 : i32
      %dma_wait3A_84 = arith.constant 0 : i32
      %dma_wait3A_85 = tpu.memref_slice %arg9[%dma_wait3A, %dma_wait3A_84] : memref<3200x16xf32, #tpu.memory_space<vmem>> -> memref<128x16xf32, #tpu.memory_space<vmem>>
      %dma_wait3A_86 = arith.constant 0 : i32
      %dma_wait3A_87 = tpu.memref_slice %arg11[%run_scoped3A_37, %dma_wait3A_86] : memref<25x128xi32, #tpu.memory_space<vmem>> -> memref<1x128xi32, #tpu.memory_space<vmem>>
      %dma_wait3A_88 = tpu.memref_squeeze %dma_wait3A_87 : memref<1x128xi32, #tpu.memory_space<vmem>> -> memref<128xi32, #tpu.memory_space<vmem>>
      %dma_wait3A_89 = arith.constant 0 : i32
      %dma_wait3A_90 = arith.constant 0 : i32
      %dma_wait3A_91 = tpu.memref_slice %arg13[%dma_wait3A_89, %dma_wait3A_90] : memref<3200x16xf32, #tpu.memory_space<vmem_shared>> -> memref<3200x16xf32, #tpu.memory_space<vmem_shared>>
      tpu.wait_indirect_dma semaphore(%run_scoped3A_75 : memref<!tpu.dma_semaphore, #tpu.memory_space<semaphore_mem>>) src(%dma_wait3A_85 : memref<128x16xf32, #tpu.memory_space<vmem>>) dst(%dma_wait3A_91 : memref<3200x16xf32, #tpu.memory_space<vmem_shared>>)
      tpu.yield
    }) : () -> ()
    %run_scoped3A_38 = arith.constant 11 : i32
    "tpu.region"() ({
      %run_scoped3A_75 = tpu.sem_alloc : memref<!tpu.dma_semaphore, #tpu.memory_space<semaphore_mem>>
      %dma_start3A = arith.constant 1408 : i32
      %dma_start3A_76 = arith.constant 0 : i32
      %dma_start3A_77 = tpu.memref_slice %arg8[%dma_start3A, %dma_start3A_76] : memref<3200x16xf32, #tpu.memory_space<vmem>> -> memref<128x16xf32, #tpu.memory_space<vmem>>
      %dma_start3A_78 = arith.constant 0 : i32
      %dma_start3A_79 = tpu.memref_slice %arg11[%run_scoped3A_38, %dma_start3A_78] : memref<25x128xi32, #tpu.memory_space<vmem>> -> memref<1x128xi32, #tpu.memory_space<vmem>>
      %dma_start3A_80 = tpu.memref_squeeze %dma_start3A_79 : memref<1x128xi32, #tpu.memory_space<vmem>> -> memref<128xi32, #tpu.memory_space<vmem>>
      %dma_start3A_81 = arith.constant 0 : i32
      %dma_start3A_82 = arith.constant 0 : i32
      %dma_start3A_83 = tpu.memref_slice %arg12[%dma_start3A_81, %dma_start3A_82] : memref<3200x16xf32, #tpu.memory_space<vmem_shared>> -> memref<3200x16xf32, #tpu.memory_space<vmem_shared>>
      tpu.enqueue_indirect_dma source(%dma_start3A_77 : memref<128x16xf32, #tpu.memory_space<vmem>>) target(%dma_start3A_83 : memref<3200x16xf32, #tpu.memory_space<vmem_shared>>) offsets(%dma_start3A_80 : memref<128xi32, #tpu.memory_space<vmem>>) semaphore(%run_scoped3A_75 : memref<!tpu.dma_semaphore, #tpu.memory_space<semaphore_mem>>) {add = true}
      %dma_wait3A = arith.constant 1408 : i32
      %dma_wait3A_84 = arith.constant 0 : i32
      %dma_wait3A_85 = tpu.memref_slice %arg8[%dma_wait3A, %dma_wait3A_84] : memref<3200x16xf32, #tpu.memory_space<vmem>> -> memref<128x16xf32, #tpu.memory_space<vmem>>
      %dma_wait3A_86 = arith.constant 0 : i32
      %dma_wait3A_87 = tpu.memref_slice %arg11[%run_scoped3A_38, %dma_wait3A_86] : memref<25x128xi32, #tpu.memory_space<vmem>> -> memref<1x128xi32, #tpu.memory_space<vmem>>
      %dma_wait3A_88 = tpu.memref_squeeze %dma_wait3A_87 : memref<1x128xi32, #tpu.memory_space<vmem>> -> memref<128xi32, #tpu.memory_space<vmem>>
      %dma_wait3A_89 = arith.constant 0 : i32
      %dma_wait3A_90 = arith.constant 0 : i32
      %dma_wait3A_91 = tpu.memref_slice %arg12[%dma_wait3A_89, %dma_wait3A_90] : memref<3200x16xf32, #tpu.memory_space<vmem_shared>> -> memref<3200x16xf32, #tpu.memory_space<vmem_shared>>
      tpu.wait_indirect_dma semaphore(%run_scoped3A_75 : memref<!tpu.dma_semaphore, #tpu.memory_space<semaphore_mem>>) src(%dma_wait3A_85 : memref<128x16xf32, #tpu.memory_space<vmem>>) dst(%dma_wait3A_91 : memref<3200x16xf32, #tpu.memory_space<vmem_shared>>)
      tpu.yield
    }) : () -> ()
    %run_scoped3A_39 = arith.constant 11 : i32
    "tpu.region"() ({
      %run_scoped3A_75 = tpu.sem_alloc : memref<!tpu.dma_semaphore, #tpu.memory_space<semaphore_mem>>
      %dma_start3A = arith.constant 1408 : i32
      %dma_start3A_76 = arith.constant 0 : i32
      %dma_start3A_77 = tpu.memref_slice %arg9[%dma_start3A, %dma_start3A_76] : memref<3200x16xf32, #tpu.memory_space<vmem>> -> memref<128x16xf32, #tpu.memory_space<vmem>>
      %dma_start3A_78 = arith.constant 0 : i32
      %dma_start3A_79 = tpu.memref_slice %arg11[%run_scoped3A_39, %dma_start3A_78] : memref<25x128xi32, #tpu.memory_space<vmem>> -> memref<1x128xi32, #tpu.memory_space<vmem>>
      %dma_start3A_80 = tpu.memref_squeeze %dma_start3A_79 : memref<1x128xi32, #tpu.memory_space<vmem>> -> memref<128xi32, #tpu.memory_space<vmem>>
      %dma_start3A_81 = arith.constant 0 : i32
      %dma_start3A_82 = arith.constant 0 : i32
      %dma_start3A_83 = tpu.memref_slice %arg13[%dma_start3A_81, %dma_start3A_82] : memref<3200x16xf32, #tpu.memory_space<vmem_shared>> -> memref<3200x16xf32, #tpu.memory_space<vmem_shared>>
      tpu.enqueue_indirect_dma source(%dma_start3A_77 : memref<128x16xf32, #tpu.memory_space<vmem>>) target(%dma_start3A_83 : memref<3200x16xf32, #tpu.memory_space<vmem_shared>>) offsets(%dma_start3A_80 : memref<128xi32, #tpu.memory_space<vmem>>) semaphore(%run_scoped3A_75 : memref<!tpu.dma_semaphore, #tpu.memory_space<semaphore_mem>>) {add = true}
      %dma_wait3A = arith.constant 1408 : i32
      %dma_wait3A_84 = arith.constant 0 : i32
      %dma_wait3A_85 = tpu.memref_slice %arg9[%dma_wait3A, %dma_wait3A_84] : memref<3200x16xf32, #tpu.memory_space<vmem>> -> memref<128x16xf32, #tpu.memory_space<vmem>>
      %dma_wait3A_86 = arith.constant 0 : i32
      %dma_wait3A_87 = tpu.memref_slice %arg11[%run_scoped3A_39, %dma_wait3A_86] : memref<25x128xi32, #tpu.memory_space<vmem>> -> memref<1x128xi32, #tpu.memory_space<vmem>>
      %dma_wait3A_88 = tpu.memref_squeeze %dma_wait3A_87 : memref<1x128xi32, #tpu.memory_space<vmem>> -> memref<128xi32, #tpu.memory_space<vmem>>
      %dma_wait3A_89 = arith.constant 0 : i32
      %dma_wait3A_90 = arith.constant 0 : i32
      %dma_wait3A_91 = tpu.memref_slice %arg13[%dma_wait3A_89, %dma_wait3A_90] : memref<3200x16xf32, #tpu.memory_space<vmem_shared>> -> memref<3200x16xf32, #tpu.memory_space<vmem_shared>>
      tpu.wait_indirect_dma semaphore(%run_scoped3A_75 : memref<!tpu.dma_semaphore, #tpu.memory_space<semaphore_mem>>) src(%dma_wait3A_85 : memref<128x16xf32, #tpu.memory_space<vmem>>) dst(%dma_wait3A_91 : memref<3200x16xf32, #tpu.memory_space<vmem_shared>>)
      tpu.yield
    }) : () -> ()
    %run_scoped3A_40 = arith.constant 12 : i32
    "tpu.region"() ({
      %run_scoped3A_75 = tpu.sem_alloc : memref<!tpu.dma_semaphore, #tpu.memory_space<semaphore_mem>>
      %dma_start3A = arith.constant 1536 : i32
      %dma_start3A_76 = arith.constant 0 : i32
      %dma_start3A_77 = tpu.memref_slice %arg8[%dma_start3A, %dma_start3A_76] : memref<3200x16xf32, #tpu.memory_space<vmem>> -> memref<128x16xf32, #tpu.memory_space<vmem>>
      %dma_start3A_78 = arith.constant 0 : i32
      %dma_start3A_79 = tpu.memref_slice %arg11[%run_scoped3A_40, %dma_start3A_78] : memref<25x128xi32, #tpu.memory_space<vmem>> -> memref<1x128xi32, #tpu.memory_space<vmem>>
      %dma_start3A_80 = tpu.memref_squeeze %dma_start3A_79 : memref<1x128xi32, #tpu.memory_space<vmem>> -> memref<128xi32, #tpu.memory_space<vmem>>
      %dma_start3A_81 = arith.constant 0 : i32
      %dma_start3A_82 = arith.constant 0 : i32
      %dma_start3A_83 = tpu.memref_slice %arg12[%dma_start3A_81, %dma_start3A_82] : memref<3200x16xf32, #tpu.memory_space<vmem_shared>> -> memref<3200x16xf32, #tpu.memory_space<vmem_shared>>
      tpu.enqueue_indirect_dma source(%dma_start3A_77 : memref<128x16xf32, #tpu.memory_space<vmem>>) target(%dma_start3A_83 : memref<3200x16xf32, #tpu.memory_space<vmem_shared>>) offsets(%dma_start3A_80 : memref<128xi32, #tpu.memory_space<vmem>>) semaphore(%run_scoped3A_75 : memref<!tpu.dma_semaphore, #tpu.memory_space<semaphore_mem>>) {add = true}
      %dma_wait3A = arith.constant 1536 : i32
      %dma_wait3A_84 = arith.constant 0 : i32
      %dma_wait3A_85 = tpu.memref_slice %arg8[%dma_wait3A, %dma_wait3A_84] : memref<3200x16xf32, #tpu.memory_space<vmem>> -> memref<128x16xf32, #tpu.memory_space<vmem>>
      %dma_wait3A_86 = arith.constant 0 : i32
      %dma_wait3A_87 = tpu.memref_slice %arg11[%run_scoped3A_40, %dma_wait3A_86] : memref<25x128xi32, #tpu.memory_space<vmem>> -> memref<1x128xi32, #tpu.memory_space<vmem>>
      %dma_wait3A_88 = tpu.memref_squeeze %dma_wait3A_87 : memref<1x128xi32, #tpu.memory_space<vmem>> -> memref<128xi32, #tpu.memory_space<vmem>>
      %dma_wait3A_89 = arith.constant 0 : i32
      %dma_wait3A_90 = arith.constant 0 : i32
      %dma_wait3A_91 = tpu.memref_slice %arg12[%dma_wait3A_89, %dma_wait3A_90] : memref<3200x16xf32, #tpu.memory_space<vmem_shared>> -> memref<3200x16xf32, #tpu.memory_space<vmem_shared>>
      tpu.wait_indirect_dma semaphore(%run_scoped3A_75 : memref<!tpu.dma_semaphore, #tpu.memory_space<semaphore_mem>>) src(%dma_wait3A_85 : memref<128x16xf32, #tpu.memory_space<vmem>>) dst(%dma_wait3A_91 : memref<3200x16xf32, #tpu.memory_space<vmem_shared>>)
      tpu.yield
    }) : () -> ()
    %run_scoped3A_41 = arith.constant 12 : i32
    "tpu.region"() ({
      %run_scoped3A_75 = tpu.sem_alloc : memref<!tpu.dma_semaphore, #tpu.memory_space<semaphore_mem>>
      %dma_start3A = arith.constant 1536 : i32
      %dma_start3A_76 = arith.constant 0 : i32
      %dma_start3A_77 = tpu.memref_slice %arg9[%dma_start3A, %dma_start3A_76] : memref<3200x16xf32, #tpu.memory_space<vmem>> -> memref<128x16xf32, #tpu.memory_space<vmem>>
      %dma_start3A_78 = arith.constant 0 : i32
      %dma_start3A_79 = tpu.memref_slice %arg11[%run_scoped3A_41, %dma_start3A_78] : memref<25x128xi32, #tpu.memory_space<vmem>> -> memref<1x128xi32, #tpu.memory_space<vmem>>
      %dma_start3A_80 = tpu.memref_squeeze %dma_start3A_79 : memref<1x128xi32, #tpu.memory_space<vmem>> -> memref<128xi32, #tpu.memory_space<vmem>>
      %dma_start3A_81 = arith.constant 0 : i32
      %dma_start3A_82 = arith.constant 0 : i32
      %dma_start3A_83 = tpu.memref_slice %arg13[%dma_start3A_81, %dma_start3A_82] : memref<3200x16xf32, #tpu.memory_space<vmem_shared>> -> memref<3200x16xf32, #tpu.memory_space<vmem_shared>>
      tpu.enqueue_indirect_dma source(%dma_start3A_77 : memref<128x16xf32, #tpu.memory_space<vmem>>) target(%dma_start3A_83 : memref<3200x16xf32, #tpu.memory_space<vmem_shared>>) offsets(%dma_start3A_80 : memref<128xi32, #tpu.memory_space<vmem>>) semaphore(%run_scoped3A_75 : memref<!tpu.dma_semaphore, #tpu.memory_space<semaphore_mem>>) {add = true}
      %dma_wait3A = arith.constant 1536 : i32
      %dma_wait3A_84 = arith.constant 0 : i32
      %dma_wait3A_85 = tpu.memref_slice %arg9[%dma_wait3A, %dma_wait3A_84] : memref<3200x16xf32, #tpu.memory_space<vmem>> -> memref<128x16xf32, #tpu.memory_space<vmem>>
      %dma_wait3A_86 = arith.constant 0 : i32
      %dma_wait3A_87 = tpu.memref_slice %arg11[%run_scoped3A_41, %dma_wait3A_86] : memref<25x128xi32, #tpu.memory_space<vmem>> -> memref<1x128xi32, #tpu.memory_space<vmem>>
      %dma_wait3A_88 = tpu.memref_squeeze %dma_wait3A_87 : memref<1x128xi32, #tpu.memory_space<vmem>> -> memref<128xi32, #tpu.memory_space<vmem>>
      %dma_wait3A_89 = arith.constant 0 : i32
      %dma_wait3A_90 = arith.constant 0 : i32
      %dma_wait3A_91 = tpu.memref_slice %arg13[%dma_wait3A_89, %dma_wait3A_90] : memref<3200x16xf32, #tpu.memory_space<vmem_shared>> -> memref<3200x16xf32, #tpu.memory_space<vmem_shared>>
      tpu.wait_indirect_dma semaphore(%run_scoped3A_75 : memref<!tpu.dma_semaphore, #tpu.memory_space<semaphore_mem>>) src(%dma_wait3A_85 : memref<128x16xf32, #tpu.memory_space<vmem>>) dst(%dma_wait3A_91 : memref<3200x16xf32, #tpu.memory_space<vmem_shared>>)
      tpu.yield
    }) : () -> ()
    %run_scoped3A_42 = arith.constant 13 : i32
    "tpu.region"() ({
      %run_scoped3A_75 = tpu.sem_alloc : memref<!tpu.dma_semaphore, #tpu.memory_space<semaphore_mem>>
      %dma_start3A = arith.constant 1664 : i32
      %dma_start3A_76 = arith.constant 0 : i32
      %dma_start3A_77 = tpu.memref_slice %arg8[%dma_start3A, %dma_start3A_76] : memref<3200x16xf32, #tpu.memory_space<vmem>> -> memref<128x16xf32, #tpu.memory_space<vmem>>
      %dma_start3A_78 = arith.constant 0 : i32
      %dma_start3A_79 = tpu.memref_slice %arg11[%run_scoped3A_42, %dma_start3A_78] : memref<25x128xi32, #tpu.memory_space<vmem>> -> memref<1x128xi32, #tpu.memory_space<vmem>>
      %dma_start3A_80 = tpu.memref_squeeze %dma_start3A_79 : memref<1x128xi32, #tpu.memory_space<vmem>> -> memref<128xi32, #tpu.memory_space<vmem>>
      %dma_start3A_81 = arith.constant 0 : i32
      %dma_start3A_82 = arith.constant 0 : i32
      %dma_start3A_83 = tpu.memref_slice %arg12[%dma_start3A_81, %dma_start3A_82] : memref<3200x16xf32, #tpu.memory_space<vmem_shared>> -> memref<3200x16xf32, #tpu.memory_space<vmem_shared>>
      tpu.enqueue_indirect_dma source(%dma_start3A_77 : memref<128x16xf32, #tpu.memory_space<vmem>>) target(%dma_start3A_83 : memref<3200x16xf32, #tpu.memory_space<vmem_shared>>) offsets(%dma_start3A_80 : memref<128xi32, #tpu.memory_space<vmem>>) semaphore(%run_scoped3A_75 : memref<!tpu.dma_semaphore, #tpu.memory_space<semaphore_mem>>) {add = true}
      %dma_wait3A = arith.constant 1664 : i32
      %dma_wait3A_84 = arith.constant 0 : i32
      %dma_wait3A_85 = tpu.memref_slice %arg8[%dma_wait3A, %dma_wait3A_84] : memref<3200x16xf32, #tpu.memory_space<vmem>> -> memref<128x16xf32, #tpu.memory_space<vmem>>
      %dma_wait3A_86 = arith.constant 0 : i32
      %dma_wait3A_87 = tpu.memref_slice %arg11[%run_scoped3A_42, %dma_wait3A_86] : memref<25x128xi32, #tpu.memory_space<vmem>> -> memref<1x128xi32, #tpu.memory_space<vmem>>
      %dma_wait3A_88 = tpu.memref_squeeze %dma_wait3A_87 : memref<1x128xi32, #tpu.memory_space<vmem>> -> memref<128xi32, #tpu.memory_space<vmem>>
      %dma_wait3A_89 = arith.constant 0 : i32
      %dma_wait3A_90 = arith.constant 0 : i32
      %dma_wait3A_91 = tpu.memref_slice %arg12[%dma_wait3A_89, %dma_wait3A_90] : memref<3200x16xf32, #tpu.memory_space<vmem_shared>> -> memref<3200x16xf32, #tpu.memory_space<vmem_shared>>
      tpu.wait_indirect_dma semaphore(%run_scoped3A_75 : memref<!tpu.dma_semaphore, #tpu.memory_space<semaphore_mem>>) src(%dma_wait3A_85 : memref<128x16xf32, #tpu.memory_space<vmem>>) dst(%dma_wait3A_91 : memref<3200x16xf32, #tpu.memory_space<vmem_shared>>)
      tpu.yield
    }) : () -> ()
    %run_scoped3A_43 = arith.constant 13 : i32
    "tpu.region"() ({
      %run_scoped3A_75 = tpu.sem_alloc : memref<!tpu.dma_semaphore, #tpu.memory_space<semaphore_mem>>
      %dma_start3A = arith.constant 1664 : i32
      %dma_start3A_76 = arith.constant 0 : i32
      %dma_start3A_77 = tpu.memref_slice %arg9[%dma_start3A, %dma_start3A_76] : memref<3200x16xf32, #tpu.memory_space<vmem>> -> memref<128x16xf32, #tpu.memory_space<vmem>>
      %dma_start3A_78 = arith.constant 0 : i32
      %dma_start3A_79 = tpu.memref_slice %arg11[%run_scoped3A_43, %dma_start3A_78] : memref<25x128xi32, #tpu.memory_space<vmem>> -> memref<1x128xi32, #tpu.memory_space<vmem>>
      %dma_start3A_80 = tpu.memref_squeeze %dma_start3A_79 : memref<1x128xi32, #tpu.memory_space<vmem>> -> memref<128xi32, #tpu.memory_space<vmem>>
      %dma_start3A_81 = arith.constant 0 : i32
      %dma_start3A_82 = arith.constant 0 : i32
      %dma_start3A_83 = tpu.memref_slice %arg13[%dma_start3A_81, %dma_start3A_82] : memref<3200x16xf32, #tpu.memory_space<vmem_shared>> -> memref<3200x16xf32, #tpu.memory_space<vmem_shared>>
      tpu.enqueue_indirect_dma source(%dma_start3A_77 : memref<128x16xf32, #tpu.memory_space<vmem>>) target(%dma_start3A_83 : memref<3200x16xf32, #tpu.memory_space<vmem_shared>>) offsets(%dma_start3A_80 : memref<128xi32, #tpu.memory_space<vmem>>) semaphore(%run_scoped3A_75 : memref<!tpu.dma_semaphore, #tpu.memory_space<semaphore_mem>>) {add = true}
      %dma_wait3A = arith.constant 1664 : i32
      %dma_wait3A_84 = arith.constant 0 : i32
      %dma_wait3A_85 = tpu.memref_slice %arg9[%dma_wait3A, %dma_wait3A_84] : memref<3200x16xf32, #tpu.memory_space<vmem>> -> memref<128x16xf32, #tpu.memory_space<vmem>>
      %dma_wait3A_86 = arith.constant 0 : i32
      %dma_wait3A_87 = tpu.memref_slice %arg11[%run_scoped3A_43, %dma_wait3A_86] : memref<25x128xi32, #tpu.memory_space<vmem>> -> memref<1x128xi32, #tpu.memory_space<vmem>>
      %dma_wait3A_88 = tpu.memref_squeeze %dma_wait3A_87 : memref<1x128xi32, #tpu.memory_space<vmem>> -> memref<128xi32, #tpu.memory_space<vmem>>
      %dma_wait3A_89 = arith.constant 0 : i32
      %dma_wait3A_90 = arith.constant 0 : i32
      %dma_wait3A_91 = tpu.memref_slice %arg13[%dma_wait3A_89, %dma_wait3A_90] : memref<3200x16xf32, #tpu.memory_space<vmem_shared>> -> memref<3200x16xf32, #tpu.memory_space<vmem_shared>>
      tpu.wait_indirect_dma semaphore(%run_scoped3A_75 : memref<!tpu.dma_semaphore, #tpu.memory_space<semaphore_mem>>) src(%dma_wait3A_85 : memref<128x16xf32, #tpu.memory_space<vmem>>) dst(%dma_wait3A_91 : memref<3200x16xf32, #tpu.memory_space<vmem_shared>>)
      tpu.yield
    }) : () -> ()
    %run_scoped3A_44 = arith.constant 14 : i32
    "tpu.region"() ({
      %run_scoped3A_75 = tpu.sem_alloc : memref<!tpu.dma_semaphore, #tpu.memory_space<semaphore_mem>>
      %dma_start3A = arith.constant 1792 : i32
      %dma_start3A_76 = arith.constant 0 : i32
      %dma_start3A_77 = tpu.memref_slice %arg8[%dma_start3A, %dma_start3A_76] : memref<3200x16xf32, #tpu.memory_space<vmem>> -> memref<128x16xf32, #tpu.memory_space<vmem>>
      %dma_start3A_78 = arith.constant 0 : i32
      %dma_start3A_79 = tpu.memref_slice %arg11[%run_scoped3A_44, %dma_start3A_78] : memref<25x128xi32, #tpu.memory_space<vmem>> -> memref<1x128xi32, #tpu.memory_space<vmem>>
      %dma_start3A_80 = tpu.memref_squeeze %dma_start3A_79 : memref<1x128xi32, #tpu.memory_space<vmem>> -> memref<128xi32, #tpu.memory_space<vmem>>
      %dma_start3A_81 = arith.constant 0 : i32
      %dma_start3A_82 = arith.constant 0 : i32
      %dma_start3A_83 = tpu.memref_slice %arg12[%dma_start3A_81, %dma_start3A_82] : memref<3200x16xf32, #tpu.memory_space<vmem_shared>> -> memref<3200x16xf32, #tpu.memory_space<vmem_shared>>
      tpu.enqueue_indirect_dma source(%dma_start3A_77 : memref<128x16xf32, #tpu.memory_space<vmem>>) target(%dma_start3A_83 : memref<3200x16xf32, #tpu.memory_space<vmem_shared>>) offsets(%dma_start3A_80 : memref<128xi32, #tpu.memory_space<vmem>>) semaphore(%run_scoped3A_75 : memref<!tpu.dma_semaphore, #tpu.memory_space<semaphore_mem>>) {add = true}
      %dma_wait3A = arith.constant 1792 : i32
      %dma_wait3A_84 = arith.constant 0 : i32
      %dma_wait3A_85 = tpu.memref_slice %arg8[%dma_wait3A, %dma_wait3A_84] : memref<3200x16xf32, #tpu.memory_space<vmem>> -> memref<128x16xf32, #tpu.memory_space<vmem>>
      %dma_wait3A_86 = arith.constant 0 : i32
      %dma_wait3A_87 = tpu.memref_slice %arg11[%run_scoped3A_44, %dma_wait3A_86] : memref<25x128xi32, #tpu.memory_space<vmem>> -> memref<1x128xi32, #tpu.memory_space<vmem>>
      %dma_wait3A_88 = tpu.memref_squeeze %dma_wait3A_87 : memref<1x128xi32, #tpu.memory_space<vmem>> -> memref<128xi32, #tpu.memory_space<vmem>>
      %dma_wait3A_89 = arith.constant 0 : i32
      %dma_wait3A_90 = arith.constant 0 : i32
      %dma_wait3A_91 = tpu.memref_slice %arg12[%dma_wait3A_89, %dma_wait3A_90] : memref<3200x16xf32, #tpu.memory_space<vmem_shared>> -> memref<3200x16xf32, #tpu.memory_space<vmem_shared>>
      tpu.wait_indirect_dma semaphore(%run_scoped3A_75 : memref<!tpu.dma_semaphore, #tpu.memory_space<semaphore_mem>>) src(%dma_wait3A_85 : memref<128x16xf32, #tpu.memory_space<vmem>>) dst(%dma_wait3A_91 : memref<3200x16xf32, #tpu.memory_space<vmem_shared>>)
      tpu.yield
    }) : () -> ()
    %run_scoped3A_45 = arith.constant 14 : i32
    "tpu.region"() ({
      %run_scoped3A_75 = tpu.sem_alloc : memref<!tpu.dma_semaphore, #tpu.memory_space<semaphore_mem>>
      %dma_start3A = arith.constant 1792 : i32
      %dma_start3A_76 = arith.constant 0 : i32
      %dma_start3A_77 = tpu.memref_slice %arg9[%dma_start3A, %dma_start3A_76] : memref<3200x16xf32, #tpu.memory_space<vmem>> -> memref<128x16xf32, #tpu.memory_space<vmem>>
      %dma_start3A_78 = arith.constant 0 : i32
      %dma_start3A_79 = tpu.memref_slice %arg11[%run_scoped3A_45, %dma_start3A_78] : memref<25x128xi32, #tpu.memory_space<vmem>> -> memref<1x128xi32, #tpu.memory_space<vmem>>
      %dma_start3A_80 = tpu.memref_squeeze %dma_start3A_79 : memref<1x128xi32, #tpu.memory_space<vmem>> -> memref<128xi32, #tpu.memory_space<vmem>>
      %dma_start3A_81 = arith.constant 0 : i32
      %dma_start3A_82 = arith.constant 0 : i32
      %dma_start3A_83 = tpu.memref_slice %arg13[%dma_start3A_81, %dma_start3A_82] : memref<3200x16xf32, #tpu.memory_space<vmem_shared>> -> memref<3200x16xf32, #tpu.memory_space<vmem_shared>>
      tpu.enqueue_indirect_dma source(%dma_start3A_77 : memref<128x16xf32, #tpu.memory_space<vmem>>) target(%dma_start3A_83 : memref<3200x16xf32, #tpu.memory_space<vmem_shared>>) offsets(%dma_start3A_80 : memref<128xi32, #tpu.memory_space<vmem>>) semaphore(%run_scoped3A_75 : memref<!tpu.dma_semaphore, #tpu.memory_space<semaphore_mem>>) {add = true}
      %dma_wait3A = arith.constant 1792 : i32
      %dma_wait3A_84 = arith.constant 0 : i32
      %dma_wait3A_85 = tpu.memref_slice %arg9[%dma_wait3A, %dma_wait3A_84] : memref<3200x16xf32, #tpu.memory_space<vmem>> -> memref<128x16xf32, #tpu.memory_space<vmem>>
      %dma_wait3A_86 = arith.constant 0 : i32
      %dma_wait3A_87 = tpu.memref_slice %arg11[%run_scoped3A_45, %dma_wait3A_86] : memref<25x128xi32, #tpu.memory_space<vmem>> -> memref<1x128xi32, #tpu.memory_space<vmem>>
      %dma_wait3A_88 = tpu.memref_squeeze %dma_wait3A_87 : memref<1x128xi32, #tpu.memory_space<vmem>> -> memref<128xi32, #tpu.memory_space<vmem>>
      %dma_wait3A_89 = arith.constant 0 : i32
      %dma_wait3A_90 = arith.constant 0 : i32
      %dma_wait3A_91 = tpu.memref_slice %arg13[%dma_wait3A_89, %dma_wait3A_90] : memref<3200x16xf32, #tpu.memory_space<vmem_shared>> -> memref<3200x16xf32, #tpu.memory_space<vmem_shared>>
      tpu.wait_indirect_dma semaphore(%run_scoped3A_75 : memref<!tpu.dma_semaphore, #tpu.memory_space<semaphore_mem>>) src(%dma_wait3A_85 : memref<128x16xf32, #tpu.memory_space<vmem>>) dst(%dma_wait3A_91 : memref<3200x16xf32, #tpu.memory_space<vmem_shared>>)
      tpu.yield
    }) : () -> ()
    %run_scoped3A_46 = arith.constant 15 : i32
    "tpu.region"() ({
      %run_scoped3A_75 = tpu.sem_alloc : memref<!tpu.dma_semaphore, #tpu.memory_space<semaphore_mem>>
      %dma_start3A = arith.constant 1920 : i32
      %dma_start3A_76 = arith.constant 0 : i32
      %dma_start3A_77 = tpu.memref_slice %arg8[%dma_start3A, %dma_start3A_76] : memref<3200x16xf32, #tpu.memory_space<vmem>> -> memref<128x16xf32, #tpu.memory_space<vmem>>
      %dma_start3A_78 = arith.constant 0 : i32
      %dma_start3A_79 = tpu.memref_slice %arg11[%run_scoped3A_46, %dma_start3A_78] : memref<25x128xi32, #tpu.memory_space<vmem>> -> memref<1x128xi32, #tpu.memory_space<vmem>>
      %dma_start3A_80 = tpu.memref_squeeze %dma_start3A_79 : memref<1x128xi32, #tpu.memory_space<vmem>> -> memref<128xi32, #tpu.memory_space<vmem>>
      %dma_start3A_81 = arith.constant 0 : i32
      %dma_start3A_82 = arith.constant 0 : i32
      %dma_start3A_83 = tpu.memref_slice %arg12[%dma_start3A_81, %dma_start3A_82] : memref<3200x16xf32, #tpu.memory_space<vmem_shared>> -> memref<3200x16xf32, #tpu.memory_space<vmem_shared>>
      tpu.enqueue_indirect_dma source(%dma_start3A_77 : memref<128x16xf32, #tpu.memory_space<vmem>>) target(%dma_start3A_83 : memref<3200x16xf32, #tpu.memory_space<vmem_shared>>) offsets(%dma_start3A_80 : memref<128xi32, #tpu.memory_space<vmem>>) semaphore(%run_scoped3A_75 : memref<!tpu.dma_semaphore, #tpu.memory_space<semaphore_mem>>) {add = true}
      %dma_wait3A = arith.constant 1920 : i32
      %dma_wait3A_84 = arith.constant 0 : i32
      %dma_wait3A_85 = tpu.memref_slice %arg8[%dma_wait3A, %dma_wait3A_84] : memref<3200x16xf32, #tpu.memory_space<vmem>> -> memref<128x16xf32, #tpu.memory_space<vmem>>
      %dma_wait3A_86 = arith.constant 0 : i32
      %dma_wait3A_87 = tpu.memref_slice %arg11[%run_scoped3A_46, %dma_wait3A_86] : memref<25x128xi32, #tpu.memory_space<vmem>> -> memref<1x128xi32, #tpu.memory_space<vmem>>
      %dma_wait3A_88 = tpu.memref_squeeze %dma_wait3A_87 : memref<1x128xi32, #tpu.memory_space<vmem>> -> memref<128xi32, #tpu.memory_space<vmem>>
      %dma_wait3A_89 = arith.constant 0 : i32
      %dma_wait3A_90 = arith.constant 0 : i32
      %dma_wait3A_91 = tpu.memref_slice %arg12[%dma_wait3A_89, %dma_wait3A_90] : memref<3200x16xf32, #tpu.memory_space<vmem_shared>> -> memref<3200x16xf32, #tpu.memory_space<vmem_shared>>
      tpu.wait_indirect_dma semaphore(%run_scoped3A_75 : memref<!tpu.dma_semaphore, #tpu.memory_space<semaphore_mem>>) src(%dma_wait3A_85 : memref<128x16xf32, #tpu.memory_space<vmem>>) dst(%dma_wait3A_91 : memref<3200x16xf32, #tpu.memory_space<vmem_shared>>)
      tpu.yield
    }) : () -> ()
    %run_scoped3A_47 = arith.constant 15 : i32
    "tpu.region"() ({
      %run_scoped3A_75 = tpu.sem_alloc : memref<!tpu.dma_semaphore, #tpu.memory_space<semaphore_mem>>
      %dma_start3A = arith.constant 1920 : i32
      %dma_start3A_76 = arith.constant 0 : i32
      %dma_start3A_77 = tpu.memref_slice %arg9[%dma_start3A, %dma_start3A_76] : memref<3200x16xf32, #tpu.memory_space<vmem>> -> memref<128x16xf32, #tpu.memory_space<vmem>>
      %dma_start3A_78 = arith.constant 0 : i32
      %dma_start3A_79 = tpu.memref_slice %arg11[%run_scoped3A_47, %dma_start3A_78] : memref<25x128xi32, #tpu.memory_space<vmem>> -> memref<1x128xi32, #tpu.memory_space<vmem>>
      %dma_start3A_80 = tpu.memref_squeeze %dma_start3A_79 : memref<1x128xi32, #tpu.memory_space<vmem>> -> memref<128xi32, #tpu.memory_space<vmem>>
      %dma_start3A_81 = arith.constant 0 : i32
      %dma_start3A_82 = arith.constant 0 : i32
      %dma_start3A_83 = tpu.memref_slice %arg13[%dma_start3A_81, %dma_start3A_82] : memref<3200x16xf32, #tpu.memory_space<vmem_shared>> -> memref<3200x16xf32, #tpu.memory_space<vmem_shared>>
      tpu.enqueue_indirect_dma source(%dma_start3A_77 : memref<128x16xf32, #tpu.memory_space<vmem>>) target(%dma_start3A_83 : memref<3200x16xf32, #tpu.memory_space<vmem_shared>>) offsets(%dma_start3A_80 : memref<128xi32, #tpu.memory_space<vmem>>) semaphore(%run_scoped3A_75 : memref<!tpu.dma_semaphore, #tpu.memory_space<semaphore_mem>>) {add = true}
      %dma_wait3A = arith.constant 1920 : i32
      %dma_wait3A_84 = arith.constant 0 : i32
      %dma_wait3A_85 = tpu.memref_slice %arg9[%dma_wait3A, %dma_wait3A_84] : memref<3200x16xf32, #tpu.memory_space<vmem>> -> memref<128x16xf32, #tpu.memory_space<vmem>>
      %dma_wait3A_86 = arith.constant 0 : i32
      %dma_wait3A_87 = tpu.memref_slice %arg11[%run_scoped3A_47, %dma_wait3A_86] : memref<25x128xi32, #tpu.memory_space<vmem>> -> memref<1x128xi32, #tpu.memory_space<vmem>>
      %dma_wait3A_88 = tpu.memref_squeeze %dma_wait3A_87 : memref<1x128xi32, #tpu.memory_space<vmem>> -> memref<128xi32, #tpu.memory_space<vmem>>
      %dma_wait3A_89 = arith.constant 0 : i32
      %dma_wait3A_90 = arith.constant 0 : i32
      %dma_wait3A_91 = tpu.memref_slice %arg13[%dma_wait3A_89, %dma_wait3A_90] : memref<3200x16xf32, #tpu.memory_space<vmem_shared>> -> memref<3200x16xf32, #tpu.memory_space<vmem_shared>>
      tpu.wait_indirect_dma semaphore(%run_scoped3A_75 : memref<!tpu.dma_semaphore, #tpu.memory_space<semaphore_mem>>) src(%dma_wait3A_85 : memref<128x16xf32, #tpu.memory_space<vmem>>) dst(%dma_wait3A_91 : memref<3200x16xf32, #tpu.memory_space<vmem_shared>>)
      tpu.yield
    }) : () -> ()
    %run_scoped3A_48 = arith.constant 16 : i32
    "tpu.region"() ({
      %run_scoped3A_75 = tpu.sem_alloc : memref<!tpu.dma_semaphore, #tpu.memory_space<semaphore_mem>>
      %dma_start3A = arith.constant 2048 : i32
      %dma_start3A_76 = arith.constant 0 : i32
      %dma_start3A_77 = tpu.memref_slice %arg8[%dma_start3A, %dma_start3A_76] : memref<3200x16xf32, #tpu.memory_space<vmem>> -> memref<128x16xf32, #tpu.memory_space<vmem>>
      %dma_start3A_78 = arith.constant 0 : i32
      %dma_start3A_79 = tpu.memref_slice %arg11[%run_scoped3A_48, %dma_start3A_78] : memref<25x128xi32, #tpu.memory_space<vmem>> -> memref<1x128xi32, #tpu.memory_space<vmem>>
      %dma_start3A_80 = tpu.memref_squeeze %dma_start3A_79 : memref<1x128xi32, #tpu.memory_space<vmem>> -> memref<128xi32, #tpu.memory_space<vmem>>
      %dma_start3A_81 = arith.constant 0 : i32
      %dma_start3A_82 = arith.constant 0 : i32
      %dma_start3A_83 = tpu.memref_slice %arg12[%dma_start3A_81, %dma_start3A_82] : memref<3200x16xf32, #tpu.memory_space<vmem_shared>> -> memref<3200x16xf32, #tpu.memory_space<vmem_shared>>
      tpu.enqueue_indirect_dma source(%dma_start3A_77 : memref<128x16xf32, #tpu.memory_space<vmem>>) target(%dma_start3A_83 : memref<3200x16xf32, #tpu.memory_space<vmem_shared>>) offsets(%dma_start3A_80 : memref<128xi32, #tpu.memory_space<vmem>>) semaphore(%run_scoped3A_75 : memref<!tpu.dma_semaphore, #tpu.memory_space<semaphore_mem>>) {add = true}
      %dma_wait3A = arith.constant 2048 : i32
      %dma_wait3A_84 = arith.constant 0 : i32
      %dma_wait3A_85 = tpu.memref_slice %arg8[%dma_wait3A, %dma_wait3A_84] : memref<3200x16xf32, #tpu.memory_space<vmem>> -> memref<128x16xf32, #tpu.memory_space<vmem>>
      %dma_wait3A_86 = arith.constant 0 : i32
      %dma_wait3A_87 = tpu.memref_slice %arg11[%run_scoped3A_48, %dma_wait3A_86] : memref<25x128xi32, #tpu.memory_space<vmem>> -> memref<1x128xi32, #tpu.memory_space<vmem>>
      %dma_wait3A_88 = tpu.memref_squeeze %dma_wait3A_87 : memref<1x128xi32, #tpu.memory_space<vmem>> -> memref<128xi32, #tpu.memory_space<vmem>>
      %dma_wait3A_89 = arith.constant 0 : i32
      %dma_wait3A_90 = arith.constant 0 : i32
      %dma_wait3A_91 = tpu.memref_slice %arg12[%dma_wait3A_89, %dma_wait3A_90] : memref<3200x16xf32, #tpu.memory_space<vmem_shared>> -> memref<3200x16xf32, #tpu.memory_space<vmem_shared>>
      tpu.wait_indirect_dma semaphore(%run_scoped3A_75 : memref<!tpu.dma_semaphore, #tpu.memory_space<semaphore_mem>>) src(%dma_wait3A_85 : memref<128x16xf32, #tpu.memory_space<vmem>>) dst(%dma_wait3A_91 : memref<3200x16xf32, #tpu.memory_space<vmem_shared>>)
      tpu.yield
    }) : () -> ()
    %run_scoped3A_49 = arith.constant 16 : i32
    "tpu.region"() ({
      %run_scoped3A_75 = tpu.sem_alloc : memref<!tpu.dma_semaphore, #tpu.memory_space<semaphore_mem>>
      %dma_start3A = arith.constant 2048 : i32
      %dma_start3A_76 = arith.constant 0 : i32
      %dma_start3A_77 = tpu.memref_slice %arg9[%dma_start3A, %dma_start3A_76] : memref<3200x16xf32, #tpu.memory_space<vmem>> -> memref<128x16xf32, #tpu.memory_space<vmem>>
      %dma_start3A_78 = arith.constant 0 : i32
      %dma_start3A_79 = tpu.memref_slice %arg11[%run_scoped3A_49, %dma_start3A_78] : memref<25x128xi32, #tpu.memory_space<vmem>> -> memref<1x128xi32, #tpu.memory_space<vmem>>
      %dma_start3A_80 = tpu.memref_squeeze %dma_start3A_79 : memref<1x128xi32, #tpu.memory_space<vmem>> -> memref<128xi32, #tpu.memory_space<vmem>>
      %dma_start3A_81 = arith.constant 0 : i32
      %dma_start3A_82 = arith.constant 0 : i32
      %dma_start3A_83 = tpu.memref_slice %arg13[%dma_start3A_81, %dma_start3A_82] : memref<3200x16xf32, #tpu.memory_space<vmem_shared>> -> memref<3200x16xf32, #tpu.memory_space<vmem_shared>>
      tpu.enqueue_indirect_dma source(%dma_start3A_77 : memref<128x16xf32, #tpu.memory_space<vmem>>) target(%dma_start3A_83 : memref<3200x16xf32, #tpu.memory_space<vmem_shared>>) offsets(%dma_start3A_80 : memref<128xi32, #tpu.memory_space<vmem>>) semaphore(%run_scoped3A_75 : memref<!tpu.dma_semaphore, #tpu.memory_space<semaphore_mem>>) {add = true}
      %dma_wait3A = arith.constant 2048 : i32
      %dma_wait3A_84 = arith.constant 0 : i32
      %dma_wait3A_85 = tpu.memref_slice %arg9[%dma_wait3A, %dma_wait3A_84] : memref<3200x16xf32, #tpu.memory_space<vmem>> -> memref<128x16xf32, #tpu.memory_space<vmem>>
      %dma_wait3A_86 = arith.constant 0 : i32
      %dma_wait3A_87 = tpu.memref_slice %arg11[%run_scoped3A_49, %dma_wait3A_86] : memref<25x128xi32, #tpu.memory_space<vmem>> -> memref<1x128xi32, #tpu.memory_space<vmem>>
      %dma_wait3A_88 = tpu.memref_squeeze %dma_wait3A_87 : memref<1x128xi32, #tpu.memory_space<vmem>> -> memref<128xi32, #tpu.memory_space<vmem>>
      %dma_wait3A_89 = arith.constant 0 : i32
      %dma_wait3A_90 = arith.constant 0 : i32
      %dma_wait3A_91 = tpu.memref_slice %arg13[%dma_wait3A_89, %dma_wait3A_90] : memref<3200x16xf32, #tpu.memory_space<vmem_shared>> -> memref<3200x16xf32, #tpu.memory_space<vmem_shared>>
      tpu.wait_indirect_dma semaphore(%run_scoped3A_75 : memref<!tpu.dma_semaphore, #tpu.memory_space<semaphore_mem>>) src(%dma_wait3A_85 : memref<128x16xf32, #tpu.memory_space<vmem>>) dst(%dma_wait3A_91 : memref<3200x16xf32, #tpu.memory_space<vmem_shared>>)
      tpu.yield
    }) : () -> ()
    %run_scoped3A_50 = arith.constant 17 : i32
    "tpu.region"() ({
      %run_scoped3A_75 = tpu.sem_alloc : memref<!tpu.dma_semaphore, #tpu.memory_space<semaphore_mem>>
      %dma_start3A = arith.constant 2176 : i32
      %dma_start3A_76 = arith.constant 0 : i32
      %dma_start3A_77 = tpu.memref_slice %arg8[%dma_start3A, %dma_start3A_76] : memref<3200x16xf32, #tpu.memory_space<vmem>> -> memref<128x16xf32, #tpu.memory_space<vmem>>
      %dma_start3A_78 = arith.constant 0 : i32
      %dma_start3A_79 = tpu.memref_slice %arg11[%run_scoped3A_50, %dma_start3A_78] : memref<25x128xi32, #tpu.memory_space<vmem>> -> memref<1x128xi32, #tpu.memory_space<vmem>>
      %dma_start3A_80 = tpu.memref_squeeze %dma_start3A_79 : memref<1x128xi32, #tpu.memory_space<vmem>> -> memref<128xi32, #tpu.memory_space<vmem>>
      %dma_start3A_81 = arith.constant 0 : i32
      %dma_start3A_82 = arith.constant 0 : i32
      %dma_start3A_83 = tpu.memref_slice %arg12[%dma_start3A_81, %dma_start3A_82] : memref<3200x16xf32, #tpu.memory_space<vmem_shared>> -> memref<3200x16xf32, #tpu.memory_space<vmem_shared>>
      tpu.enqueue_indirect_dma source(%dma_start3A_77 : memref<128x16xf32, #tpu.memory_space<vmem>>) target(%dma_start3A_83 : memref<3200x16xf32, #tpu.memory_space<vmem_shared>>) offsets(%dma_start3A_80 : memref<128xi32, #tpu.memory_space<vmem>>) semaphore(%run_scoped3A_75 : memref<!tpu.dma_semaphore, #tpu.memory_space<semaphore_mem>>) {add = true}
      %dma_wait3A = arith.constant 2176 : i32
      %dma_wait3A_84 = arith.constant 0 : i32
      %dma_wait3A_85 = tpu.memref_slice %arg8[%dma_wait3A, %dma_wait3A_84] : memref<3200x16xf32, #tpu.memory_space<vmem>> -> memref<128x16xf32, #tpu.memory_space<vmem>>
      %dma_wait3A_86 = arith.constant 0 : i32
      %dma_wait3A_87 = tpu.memref_slice %arg11[%run_scoped3A_50, %dma_wait3A_86] : memref<25x128xi32, #tpu.memory_space<vmem>> -> memref<1x128xi32, #tpu.memory_space<vmem>>
      %dma_wait3A_88 = tpu.memref_squeeze %dma_wait3A_87 : memref<1x128xi32, #tpu.memory_space<vmem>> -> memref<128xi32, #tpu.memory_space<vmem>>
      %dma_wait3A_89 = arith.constant 0 : i32
      %dma_wait3A_90 = arith.constant 0 : i32
      %dma_wait3A_91 = tpu.memref_slice %arg12[%dma_wait3A_89, %dma_wait3A_90] : memref<3200x16xf32, #tpu.memory_space<vmem_shared>> -> memref<3200x16xf32, #tpu.memory_space<vmem_shared>>
      tpu.wait_indirect_dma semaphore(%run_scoped3A_75 : memref<!tpu.dma_semaphore, #tpu.memory_space<semaphore_mem>>) src(%dma_wait3A_85 : memref<128x16xf32, #tpu.memory_space<vmem>>) dst(%dma_wait3A_91 : memref<3200x16xf32, #tpu.memory_space<vmem_shared>>)
      tpu.yield
    }) : () -> ()
    %run_scoped3A_51 = arith.constant 17 : i32
    "tpu.region"() ({
      %run_scoped3A_75 = tpu.sem_alloc : memref<!tpu.dma_semaphore, #tpu.memory_space<semaphore_mem>>
      %dma_start3A = arith.constant 2176 : i32
      %dma_start3A_76 = arith.constant 0 : i32
      %dma_start3A_77 = tpu.memref_slice %arg9[%dma_start3A, %dma_start3A_76] : memref<3200x16xf32, #tpu.memory_space<vmem>> -> memref<128x16xf32, #tpu.memory_space<vmem>>
      %dma_start3A_78 = arith.constant 0 : i32
      %dma_start3A_79 = tpu.memref_slice %arg11[%run_scoped3A_51, %dma_start3A_78] : memref<25x128xi32, #tpu.memory_space<vmem>> -> memref<1x128xi32, #tpu.memory_space<vmem>>
      %dma_start3A_80 = tpu.memref_squeeze %dma_start3A_79 : memref<1x128xi32, #tpu.memory_space<vmem>> -> memref<128xi32, #tpu.memory_space<vmem>>
      %dma_start3A_81 = arith.constant 0 : i32
      %dma_start3A_82 = arith.constant 0 : i32
      %dma_start3A_83 = tpu.memref_slice %arg13[%dma_start3A_81, %dma_start3A_82] : memref<3200x16xf32, #tpu.memory_space<vmem_shared>> -> memref<3200x16xf32, #tpu.memory_space<vmem_shared>>
      tpu.enqueue_indirect_dma source(%dma_start3A_77 : memref<128x16xf32, #tpu.memory_space<vmem>>) target(%dma_start3A_83 : memref<3200x16xf32, #tpu.memory_space<vmem_shared>>) offsets(%dma_start3A_80 : memref<128xi32, #tpu.memory_space<vmem>>) semaphore(%run_scoped3A_75 : memref<!tpu.dma_semaphore, #tpu.memory_space<semaphore_mem>>) {add = true}
      %dma_wait3A = arith.constant 2176 : i32
      %dma_wait3A_84 = arith.constant 0 : i32
      %dma_wait3A_85 = tpu.memref_slice %arg9[%dma_wait3A, %dma_wait3A_84] : memref<3200x16xf32, #tpu.memory_space<vmem>> -> memref<128x16xf32, #tpu.memory_space<vmem>>
      %dma_wait3A_86 = arith.constant 0 : i32
      %dma_wait3A_87 = tpu.memref_slice %arg11[%run_scoped3A_51, %dma_wait3A_86] : memref<25x128xi32, #tpu.memory_space<vmem>> -> memref<1x128xi32, #tpu.memory_space<vmem>>
      %dma_wait3A_88 = tpu.memref_squeeze %dma_wait3A_87 : memref<1x128xi32, #tpu.memory_space<vmem>> -> memref<128xi32, #tpu.memory_space<vmem>>
      %dma_wait3A_89 = arith.constant 0 : i32
      %dma_wait3A_90 = arith.constant 0 : i32
      %dma_wait3A_91 = tpu.memref_slice %arg13[%dma_wait3A_89, %dma_wait3A_90] : memref<3200x16xf32, #tpu.memory_space<vmem_shared>> -> memref<3200x16xf32, #tpu.memory_space<vmem_shared>>
      tpu.wait_indirect_dma semaphore(%run_scoped3A_75 : memref<!tpu.dma_semaphore, #tpu.memory_space<semaphore_mem>>) src(%dma_wait3A_85 : memref<128x16xf32, #tpu.memory_space<vmem>>) dst(%dma_wait3A_91 : memref<3200x16xf32, #tpu.memory_space<vmem_shared>>)
      tpu.yield
    }) : () -> ()
    %run_scoped3A_52 = arith.constant 18 : i32
    "tpu.region"() ({
      %run_scoped3A_75 = tpu.sem_alloc : memref<!tpu.dma_semaphore, #tpu.memory_space<semaphore_mem>>
      %dma_start3A = arith.constant 2304 : i32
      %dma_start3A_76 = arith.constant 0 : i32
      %dma_start3A_77 = tpu.memref_slice %arg8[%dma_start3A, %dma_start3A_76] : memref<3200x16xf32, #tpu.memory_space<vmem>> -> memref<128x16xf32, #tpu.memory_space<vmem>>
      %dma_start3A_78 = arith.constant 0 : i32
      %dma_start3A_79 = tpu.memref_slice %arg11[%run_scoped3A_52, %dma_start3A_78] : memref<25x128xi32, #tpu.memory_space<vmem>> -> memref<1x128xi32, #tpu.memory_space<vmem>>
      %dma_start3A_80 = tpu.memref_squeeze %dma_start3A_79 : memref<1x128xi32, #tpu.memory_space<vmem>> -> memref<128xi32, #tpu.memory_space<vmem>>
      %dma_start3A_81 = arith.constant 0 : i32
      %dma_start3A_82 = arith.constant 0 : i32
      %dma_start3A_83 = tpu.memref_slice %arg12[%dma_start3A_81, %dma_start3A_82] : memref<3200x16xf32, #tpu.memory_space<vmem_shared>> -> memref<3200x16xf32, #tpu.memory_space<vmem_shared>>
      tpu.enqueue_indirect_dma source(%dma_start3A_77 : memref<128x16xf32, #tpu.memory_space<vmem>>) target(%dma_start3A_83 : memref<3200x16xf32, #tpu.memory_space<vmem_shared>>) offsets(%dma_start3A_80 : memref<128xi32, #tpu.memory_space<vmem>>) semaphore(%run_scoped3A_75 : memref<!tpu.dma_semaphore, #tpu.memory_space<semaphore_mem>>) {add = true}
      %dma_wait3A = arith.constant 2304 : i32
      %dma_wait3A_84 = arith.constant 0 : i32
      %dma_wait3A_85 = tpu.memref_slice %arg8[%dma_wait3A, %dma_wait3A_84] : memref<3200x16xf32, #tpu.memory_space<vmem>> -> memref<128x16xf32, #tpu.memory_space<vmem>>
      %dma_wait3A_86 = arith.constant 0 : i32
      %dma_wait3A_87 = tpu.memref_slice %arg11[%run_scoped3A_52, %dma_wait3A_86] : memref<25x128xi32, #tpu.memory_space<vmem>> -> memref<1x128xi32, #tpu.memory_space<vmem>>
      %dma_wait3A_88 = tpu.memref_squeeze %dma_wait3A_87 : memref<1x128xi32, #tpu.memory_space<vmem>> -> memref<128xi32, #tpu.memory_space<vmem>>
      %dma_wait3A_89 = arith.constant 0 : i32
      %dma_wait3A_90 = arith.constant 0 : i32
      %dma_wait3A_91 = tpu.memref_slice %arg12[%dma_wait3A_89, %dma_wait3A_90] : memref<3200x16xf32, #tpu.memory_space<vmem_shared>> -> memref<3200x16xf32, #tpu.memory_space<vmem_shared>>
      tpu.wait_indirect_dma semaphore(%run_scoped3A_75 : memref<!tpu.dma_semaphore, #tpu.memory_space<semaphore_mem>>) src(%dma_wait3A_85 : memref<128x16xf32, #tpu.memory_space<vmem>>) dst(%dma_wait3A_91 : memref<3200x16xf32, #tpu.memory_space<vmem_shared>>)
      tpu.yield
    }) : () -> ()
    %run_scoped3A_53 = arith.constant 18 : i32
    "tpu.region"() ({
      %run_scoped3A_75 = tpu.sem_alloc : memref<!tpu.dma_semaphore, #tpu.memory_space<semaphore_mem>>
      %dma_start3A = arith.constant 2304 : i32
      %dma_start3A_76 = arith.constant 0 : i32
      %dma_start3A_77 = tpu.memref_slice %arg9[%dma_start3A, %dma_start3A_76] : memref<3200x16xf32, #tpu.memory_space<vmem>> -> memref<128x16xf32, #tpu.memory_space<vmem>>
      %dma_start3A_78 = arith.constant 0 : i32
      %dma_start3A_79 = tpu.memref_slice %arg11[%run_scoped3A_53, %dma_start3A_78] : memref<25x128xi32, #tpu.memory_space<vmem>> -> memref<1x128xi32, #tpu.memory_space<vmem>>
      %dma_start3A_80 = tpu.memref_squeeze %dma_start3A_79 : memref<1x128xi32, #tpu.memory_space<vmem>> -> memref<128xi32, #tpu.memory_space<vmem>>
      %dma_start3A_81 = arith.constant 0 : i32
      %dma_start3A_82 = arith.constant 0 : i32
      %dma_start3A_83 = tpu.memref_slice %arg13[%dma_start3A_81, %dma_start3A_82] : memref<3200x16xf32, #tpu.memory_space<vmem_shared>> -> memref<3200x16xf32, #tpu.memory_space<vmem_shared>>
      tpu.enqueue_indirect_dma source(%dma_start3A_77 : memref<128x16xf32, #tpu.memory_space<vmem>>) target(%dma_start3A_83 : memref<3200x16xf32, #tpu.memory_space<vmem_shared>>) offsets(%dma_start3A_80 : memref<128xi32, #tpu.memory_space<vmem>>) semaphore(%run_scoped3A_75 : memref<!tpu.dma_semaphore, #tpu.memory_space<semaphore_mem>>) {add = true}
      %dma_wait3A = arith.constant 2304 : i32
      %dma_wait3A_84 = arith.constant 0 : i32
      %dma_wait3A_85 = tpu.memref_slice %arg9[%dma_wait3A, %dma_wait3A_84] : memref<3200x16xf32, #tpu.memory_space<vmem>> -> memref<128x16xf32, #tpu.memory_space<vmem>>
      %dma_wait3A_86 = arith.constant 0 : i32
      %dma_wait3A_87 = tpu.memref_slice %arg11[%run_scoped3A_53, %dma_wait3A_86] : memref<25x128xi32, #tpu.memory_space<vmem>> -> memref<1x128xi32, #tpu.memory_space<vmem>>
      %dma_wait3A_88 = tpu.memref_squeeze %dma_wait3A_87 : memref<1x128xi32, #tpu.memory_space<vmem>> -> memref<128xi32, #tpu.memory_space<vmem>>
      %dma_wait3A_89 = arith.constant 0 : i32
      %dma_wait3A_90 = arith.constant 0 : i32
      %dma_wait3A_91 = tpu.memref_slice %arg13[%dma_wait3A_89, %dma_wait3A_90] : memref<3200x16xf32, #tpu.memory_space<vmem_shared>> -> memref<3200x16xf32, #tpu.memory_space<vmem_shared>>
      tpu.wait_indirect_dma semaphore(%run_scoped3A_75 : memref<!tpu.dma_semaphore, #tpu.memory_space<semaphore_mem>>) src(%dma_wait3A_85 : memref<128x16xf32, #tpu.memory_space<vmem>>) dst(%dma_wait3A_91 : memref<3200x16xf32, #tpu.memory_space<vmem_shared>>)
      tpu.yield
    }) : () -> ()
    %run_scoped3A_54 = arith.constant 19 : i32
    "tpu.region"() ({
      %run_scoped3A_75 = tpu.sem_alloc : memref<!tpu.dma_semaphore, #tpu.memory_space<semaphore_mem>>
      %dma_start3A = arith.constant 2432 : i32
      %dma_start3A_76 = arith.constant 0 : i32
      %dma_start3A_77 = tpu.memref_slice %arg8[%dma_start3A, %dma_start3A_76] : memref<3200x16xf32, #tpu.memory_space<vmem>> -> memref<128x16xf32, #tpu.memory_space<vmem>>
      %dma_start3A_78 = arith.constant 0 : i32
      %dma_start3A_79 = tpu.memref_slice %arg11[%run_scoped3A_54, %dma_start3A_78] : memref<25x128xi32, #tpu.memory_space<vmem>> -> memref<1x128xi32, #tpu.memory_space<vmem>>
      %dma_start3A_80 = tpu.memref_squeeze %dma_start3A_79 : memref<1x128xi32, #tpu.memory_space<vmem>> -> memref<128xi32, #tpu.memory_space<vmem>>
      %dma_start3A_81 = arith.constant 0 : i32
      %dma_start3A_82 = arith.constant 0 : i32
      %dma_start3A_83 = tpu.memref_slice %arg12[%dma_start3A_81, %dma_start3A_82] : memref<3200x16xf32, #tpu.memory_space<vmem_shared>> -> memref<3200x16xf32, #tpu.memory_space<vmem_shared>>
      tpu.enqueue_indirect_dma source(%dma_start3A_77 : memref<128x16xf32, #tpu.memory_space<vmem>>) target(%dma_start3A_83 : memref<3200x16xf32, #tpu.memory_space<vmem_shared>>) offsets(%dma_start3A_80 : memref<128xi32, #tpu.memory_space<vmem>>) semaphore(%run_scoped3A_75 : memref<!tpu.dma_semaphore, #tpu.memory_space<semaphore_mem>>) {add = true}
      %dma_wait3A = arith.constant 2432 : i32
      %dma_wait3A_84 = arith.constant 0 : i32
      %dma_wait3A_85 = tpu.memref_slice %arg8[%dma_wait3A, %dma_wait3A_84] : memref<3200x16xf32, #tpu.memory_space<vmem>> -> memref<128x16xf32, #tpu.memory_space<vmem>>
      %dma_wait3A_86 = arith.constant 0 : i32
      %dma_wait3A_87 = tpu.memref_slice %arg11[%run_scoped3A_54, %dma_wait3A_86] : memref<25x128xi32, #tpu.memory_space<vmem>> -> memref<1x128xi32, #tpu.memory_space<vmem>>
      %dma_wait3A_88 = tpu.memref_squeeze %dma_wait3A_87 : memref<1x128xi32, #tpu.memory_space<vmem>> -> memref<128xi32, #tpu.memory_space<vmem>>
      %dma_wait3A_89 = arith.constant 0 : i32
      %dma_wait3A_90 = arith.constant 0 : i32
      %dma_wait3A_91 = tpu.memref_slice %arg12[%dma_wait3A_89, %dma_wait3A_90] : memref<3200x16xf32, #tpu.memory_space<vmem_shared>> -> memref<3200x16xf32, #tpu.memory_space<vmem_shared>>
      tpu.wait_indirect_dma semaphore(%run_scoped3A_75 : memref<!tpu.dma_semaphore, #tpu.memory_space<semaphore_mem>>) src(%dma_wait3A_85 : memref<128x16xf32, #tpu.memory_space<vmem>>) dst(%dma_wait3A_91 : memref<3200x16xf32, #tpu.memory_space<vmem_shared>>)
      tpu.yield
    }) : () -> ()
    %run_scoped3A_55 = arith.constant 19 : i32
    "tpu.region"() ({
      %run_scoped3A_75 = tpu.sem_alloc : memref<!tpu.dma_semaphore, #tpu.memory_space<semaphore_mem>>
      %dma_start3A = arith.constant 2432 : i32
      %dma_start3A_76 = arith.constant 0 : i32
      %dma_start3A_77 = tpu.memref_slice %arg9[%dma_start3A, %dma_start3A_76] : memref<3200x16xf32, #tpu.memory_space<vmem>> -> memref<128x16xf32, #tpu.memory_space<vmem>>
      %dma_start3A_78 = arith.constant 0 : i32
      %dma_start3A_79 = tpu.memref_slice %arg11[%run_scoped3A_55, %dma_start3A_78] : memref<25x128xi32, #tpu.memory_space<vmem>> -> memref<1x128xi32, #tpu.memory_space<vmem>>
      %dma_start3A_80 = tpu.memref_squeeze %dma_start3A_79 : memref<1x128xi32, #tpu.memory_space<vmem>> -> memref<128xi32, #tpu.memory_space<vmem>>
      %dma_start3A_81 = arith.constant 0 : i32
      %dma_start3A_82 = arith.constant 0 : i32
      %dma_start3A_83 = tpu.memref_slice %arg13[%dma_start3A_81, %dma_start3A_82] : memref<3200x16xf32, #tpu.memory_space<vmem_shared>> -> memref<3200x16xf32, #tpu.memory_space<vmem_shared>>
      tpu.enqueue_indirect_dma source(%dma_start3A_77 : memref<128x16xf32, #tpu.memory_space<vmem>>) target(%dma_start3A_83 : memref<3200x16xf32, #tpu.memory_space<vmem_shared>>) offsets(%dma_start3A_80 : memref<128xi32, #tpu.memory_space<vmem>>) semaphore(%run_scoped3A_75 : memref<!tpu.dma_semaphore, #tpu.memory_space<semaphore_mem>>) {add = true}
      %dma_wait3A = arith.constant 2432 : i32
      %dma_wait3A_84 = arith.constant 0 : i32
      %dma_wait3A_85 = tpu.memref_slice %arg9[%dma_wait3A, %dma_wait3A_84] : memref<3200x16xf32, #tpu.memory_space<vmem>> -> memref<128x16xf32, #tpu.memory_space<vmem>>
      %dma_wait3A_86 = arith.constant 0 : i32
      %dma_wait3A_87 = tpu.memref_slice %arg11[%run_scoped3A_55, %dma_wait3A_86] : memref<25x128xi32, #tpu.memory_space<vmem>> -> memref<1x128xi32, #tpu.memory_space<vmem>>
      %dma_wait3A_88 = tpu.memref_squeeze %dma_wait3A_87 : memref<1x128xi32, #tpu.memory_space<vmem>> -> memref<128xi32, #tpu.memory_space<vmem>>
      %dma_wait3A_89 = arith.constant 0 : i32
      %dma_wait3A_90 = arith.constant 0 : i32
      %dma_wait3A_91 = tpu.memref_slice %arg13[%dma_wait3A_89, %dma_wait3A_90] : memref<3200x16xf32, #tpu.memory_space<vmem_shared>> -> memref<3200x16xf32, #tpu.memory_space<vmem_shared>>
      tpu.wait_indirect_dma semaphore(%run_scoped3A_75 : memref<!tpu.dma_semaphore, #tpu.memory_space<semaphore_mem>>) src(%dma_wait3A_85 : memref<128x16xf32, #tpu.memory_space<vmem>>) dst(%dma_wait3A_91 : memref<3200x16xf32, #tpu.memory_space<vmem_shared>>)
      tpu.yield
    }) : () -> ()
    %run_scoped3A_56 = arith.constant 20 : i32
    "tpu.region"() ({
      %run_scoped3A_75 = tpu.sem_alloc : memref<!tpu.dma_semaphore, #tpu.memory_space<semaphore_mem>>
      %dma_start3A = arith.constant 2560 : i32
      %dma_start3A_76 = arith.constant 0 : i32
      %dma_start3A_77 = tpu.memref_slice %arg8[%dma_start3A, %dma_start3A_76] : memref<3200x16xf32, #tpu.memory_space<vmem>> -> memref<128x16xf32, #tpu.memory_space<vmem>>
      %dma_start3A_78 = arith.constant 0 : i32
      %dma_start3A_79 = tpu.memref_slice %arg11[%run_scoped3A_56, %dma_start3A_78] : memref<25x128xi32, #tpu.memory_space<vmem>> -> memref<1x128xi32, #tpu.memory_space<vmem>>
      %dma_start3A_80 = tpu.memref_squeeze %dma_start3A_79 : memref<1x128xi32, #tpu.memory_space<vmem>> -> memref<128xi32, #tpu.memory_space<vmem>>
      %dma_start3A_81 = arith.constant 0 : i32
      %dma_start3A_82 = arith.constant 0 : i32
      %dma_start3A_83 = tpu.memref_slice %arg12[%dma_start3A_81, %dma_start3A_82] : memref<3200x16xf32, #tpu.memory_space<vmem_shared>> -> memref<3200x16xf32, #tpu.memory_space<vmem_shared>>
      tpu.enqueue_indirect_dma source(%dma_start3A_77 : memref<128x16xf32, #tpu.memory_space<vmem>>) target(%dma_start3A_83 : memref<3200x16xf32, #tpu.memory_space<vmem_shared>>) offsets(%dma_start3A_80 : memref<128xi32, #tpu.memory_space<vmem>>) semaphore(%run_scoped3A_75 : memref<!tpu.dma_semaphore, #tpu.memory_space<semaphore_mem>>) {add = true}
      %dma_wait3A = arith.constant 2560 : i32
      %dma_wait3A_84 = arith.constant 0 : i32
      %dma_wait3A_85 = tpu.memref_slice %arg8[%dma_wait3A, %dma_wait3A_84] : memref<3200x16xf32, #tpu.memory_space<vmem>> -> memref<128x16xf32, #tpu.memory_space<vmem>>
      %dma_wait3A_86 = arith.constant 0 : i32
      %dma_wait3A_87 = tpu.memref_slice %arg11[%run_scoped3A_56, %dma_wait3A_86] : memref<25x128xi32, #tpu.memory_space<vmem>> -> memref<1x128xi32, #tpu.memory_space<vmem>>
      %dma_wait3A_88 = tpu.memref_squeeze %dma_wait3A_87 : memref<1x128xi32, #tpu.memory_space<vmem>> -> memref<128xi32, #tpu.memory_space<vmem>>
      %dma_wait3A_89 = arith.constant 0 : i32
      %dma_wait3A_90 = arith.constant 0 : i32
      %dma_wait3A_91 = tpu.memref_slice %arg12[%dma_wait3A_89, %dma_wait3A_90] : memref<3200x16xf32, #tpu.memory_space<vmem_shared>> -> memref<3200x16xf32, #tpu.memory_space<vmem_shared>>
      tpu.wait_indirect_dma semaphore(%run_scoped3A_75 : memref<!tpu.dma_semaphore, #tpu.memory_space<semaphore_mem>>) src(%dma_wait3A_85 : memref<128x16xf32, #tpu.memory_space<vmem>>) dst(%dma_wait3A_91 : memref<3200x16xf32, #tpu.memory_space<vmem_shared>>)
      tpu.yield
    }) : () -> ()
    %run_scoped3A_57 = arith.constant 20 : i32
    "tpu.region"() ({
      %run_scoped3A_75 = tpu.sem_alloc : memref<!tpu.dma_semaphore, #tpu.memory_space<semaphore_mem>>
      %dma_start3A = arith.constant 2560 : i32
      %dma_start3A_76 = arith.constant 0 : i32
      %dma_start3A_77 = tpu.memref_slice %arg9[%dma_start3A, %dma_start3A_76] : memref<3200x16xf32, #tpu.memory_space<vmem>> -> memref<128x16xf32, #tpu.memory_space<vmem>>
      %dma_start3A_78 = arith.constant 0 : i32
      %dma_start3A_79 = tpu.memref_slice %arg11[%run_scoped3A_57, %dma_start3A_78] : memref<25x128xi32, #tpu.memory_space<vmem>> -> memref<1x128xi32, #tpu.memory_space<vmem>>
      %dma_start3A_80 = tpu.memref_squeeze %dma_start3A_79 : memref<1x128xi32, #tpu.memory_space<vmem>> -> memref<128xi32, #tpu.memory_space<vmem>>
      %dma_start3A_81 = arith.constant 0 : i32
      %dma_start3A_82 = arith.constant 0 : i32
      %dma_start3A_83 = tpu.memref_slice %arg13[%dma_start3A_81, %dma_start3A_82] : memref<3200x16xf32, #tpu.memory_space<vmem_shared>> -> memref<3200x16xf32, #tpu.memory_space<vmem_shared>>
      tpu.enqueue_indirect_dma source(%dma_start3A_77 : memref<128x16xf32, #tpu.memory_space<vmem>>) target(%dma_start3A_83 : memref<3200x16xf32, #tpu.memory_space<vmem_shared>>) offsets(%dma_start3A_80 : memref<128xi32, #tpu.memory_space<vmem>>) semaphore(%run_scoped3A_75 : memref<!tpu.dma_semaphore, #tpu.memory_space<semaphore_mem>>) {add = true}
      %dma_wait3A = arith.constant 2560 : i32
      %dma_wait3A_84 = arith.constant 0 : i32
      %dma_wait3A_85 = tpu.memref_slice %arg9[%dma_wait3A, %dma_wait3A_84] : memref<3200x16xf32, #tpu.memory_space<vmem>> -> memref<128x16xf32, #tpu.memory_space<vmem>>
      %dma_wait3A_86 = arith.constant 0 : i32
      %dma_wait3A_87 = tpu.memref_slice %arg11[%run_scoped3A_57, %dma_wait3A_86] : memref<25x128xi32, #tpu.memory_space<vmem>> -> memref<1x128xi32, #tpu.memory_space<vmem>>
      %dma_wait3A_88 = tpu.memref_squeeze %dma_wait3A_87 : memref<1x128xi32, #tpu.memory_space<vmem>> -> memref<128xi32, #tpu.memory_space<vmem>>
      %dma_wait3A_89 = arith.constant 0 : i32
      %dma_wait3A_90 = arith.constant 0 : i32
      %dma_wait3A_91 = tpu.memref_slice %arg13[%dma_wait3A_89, %dma_wait3A_90] : memref<3200x16xf32, #tpu.memory_space<vmem_shared>> -> memref<3200x16xf32, #tpu.memory_space<vmem_shared>>
      tpu.wait_indirect_dma semaphore(%run_scoped3A_75 : memref<!tpu.dma_semaphore, #tpu.memory_space<semaphore_mem>>) src(%dma_wait3A_85 : memref<128x16xf32, #tpu.memory_space<vmem>>) dst(%dma_wait3A_91 : memref<3200x16xf32, #tpu.memory_space<vmem_shared>>)
      tpu.yield
    }) : () -> ()
    %run_scoped3A_58 = arith.constant 21 : i32
    "tpu.region"() ({
      %run_scoped3A_75 = tpu.sem_alloc : memref<!tpu.dma_semaphore, #tpu.memory_space<semaphore_mem>>
      %dma_start3A = arith.constant 2688 : i32
      %dma_start3A_76 = arith.constant 0 : i32
      %dma_start3A_77 = tpu.memref_slice %arg8[%dma_start3A, %dma_start3A_76] : memref<3200x16xf32, #tpu.memory_space<vmem>> -> memref<128x16xf32, #tpu.memory_space<vmem>>
      %dma_start3A_78 = arith.constant 0 : i32
      %dma_start3A_79 = tpu.memref_slice %arg11[%run_scoped3A_58, %dma_start3A_78] : memref<25x128xi32, #tpu.memory_space<vmem>> -> memref<1x128xi32, #tpu.memory_space<vmem>>
      %dma_start3A_80 = tpu.memref_squeeze %dma_start3A_79 : memref<1x128xi32, #tpu.memory_space<vmem>> -> memref<128xi32, #tpu.memory_space<vmem>>
      %dma_start3A_81 = arith.constant 0 : i32
      %dma_start3A_82 = arith.constant 0 : i32
      %dma_start3A_83 = tpu.memref_slice %arg12[%dma_start3A_81, %dma_start3A_82] : memref<3200x16xf32, #tpu.memory_space<vmem_shared>> -> memref<3200x16xf32, #tpu.memory_space<vmem_shared>>
      tpu.enqueue_indirect_dma source(%dma_start3A_77 : memref<128x16xf32, #tpu.memory_space<vmem>>) target(%dma_start3A_83 : memref<3200x16xf32, #tpu.memory_space<vmem_shared>>) offsets(%dma_start3A_80 : memref<128xi32, #tpu.memory_space<vmem>>) semaphore(%run_scoped3A_75 : memref<!tpu.dma_semaphore, #tpu.memory_space<semaphore_mem>>) {add = true}
      %dma_wait3A = arith.constant 2688 : i32
      %dma_wait3A_84 = arith.constant 0 : i32
      %dma_wait3A_85 = tpu.memref_slice %arg8[%dma_wait3A, %dma_wait3A_84] : memref<3200x16xf32, #tpu.memory_space<vmem>> -> memref<128x16xf32, #tpu.memory_space<vmem>>
      %dma_wait3A_86 = arith.constant 0 : i32
      %dma_wait3A_87 = tpu.memref_slice %arg11[%run_scoped3A_58, %dma_wait3A_86] : memref<25x128xi32, #tpu.memory_space<vmem>> -> memref<1x128xi32, #tpu.memory_space<vmem>>
      %dma_wait3A_88 = tpu.memref_squeeze %dma_wait3A_87 : memref<1x128xi32, #tpu.memory_space<vmem>> -> memref<128xi32, #tpu.memory_space<vmem>>
      %dma_wait3A_89 = arith.constant 0 : i32
      %dma_wait3A_90 = arith.constant 0 : i32
      %dma_wait3A_91 = tpu.memref_slice %arg12[%dma_wait3A_89, %dma_wait3A_90] : memref<3200x16xf32, #tpu.memory_space<vmem_shared>> -> memref<3200x16xf32, #tpu.memory_space<vmem_shared>>
      tpu.wait_indirect_dma semaphore(%run_scoped3A_75 : memref<!tpu.dma_semaphore, #tpu.memory_space<semaphore_mem>>) src(%dma_wait3A_85 : memref<128x16xf32, #tpu.memory_space<vmem>>) dst(%dma_wait3A_91 : memref<3200x16xf32, #tpu.memory_space<vmem_shared>>)
      tpu.yield
    }) : () -> ()
    %run_scoped3A_59 = arith.constant 21 : i32
    "tpu.region"() ({
      %run_scoped3A_75 = tpu.sem_alloc : memref<!tpu.dma_semaphore, #tpu.memory_space<semaphore_mem>>
      %dma_start3A = arith.constant 2688 : i32
      %dma_start3A_76 = arith.constant 0 : i32
      %dma_start3A_77 = tpu.memref_slice %arg9[%dma_start3A, %dma_start3A_76] : memref<3200x16xf32, #tpu.memory_space<vmem>> -> memref<128x16xf32, #tpu.memory_space<vmem>>
      %dma_start3A_78 = arith.constant 0 : i32
      %dma_start3A_79 = tpu.memref_slice %arg11[%run_scoped3A_59, %dma_start3A_78] : memref<25x128xi32, #tpu.memory_space<vmem>> -> memref<1x128xi32, #tpu.memory_space<vmem>>
      %dma_start3A_80 = tpu.memref_squeeze %dma_start3A_79 : memref<1x128xi32, #tpu.memory_space<vmem>> -> memref<128xi32, #tpu.memory_space<vmem>>
      %dma_start3A_81 = arith.constant 0 : i32
      %dma_start3A_82 = arith.constant 0 : i32
      %dma_start3A_83 = tpu.memref_slice %arg13[%dma_start3A_81, %dma_start3A_82] : memref<3200x16xf32, #tpu.memory_space<vmem_shared>> -> memref<3200x16xf32, #tpu.memory_space<vmem_shared>>
      tpu.enqueue_indirect_dma source(%dma_start3A_77 : memref<128x16xf32, #tpu.memory_space<vmem>>) target(%dma_start3A_83 : memref<3200x16xf32, #tpu.memory_space<vmem_shared>>) offsets(%dma_start3A_80 : memref<128xi32, #tpu.memory_space<vmem>>) semaphore(%run_scoped3A_75 : memref<!tpu.dma_semaphore, #tpu.memory_space<semaphore_mem>>) {add = true}
      %dma_wait3A = arith.constant 2688 : i32
      %dma_wait3A_84 = arith.constant 0 : i32
      %dma_wait3A_85 = tpu.memref_slice %arg9[%dma_wait3A, %dma_wait3A_84] : memref<3200x16xf32, #tpu.memory_space<vmem>> -> memref<128x16xf32, #tpu.memory_space<vmem>>
      %dma_wait3A_86 = arith.constant 0 : i32
      %dma_wait3A_87 = tpu.memref_slice %arg11[%run_scoped3A_59, %dma_wait3A_86] : memref<25x128xi32, #tpu.memory_space<vmem>> -> memref<1x128xi32, #tpu.memory_space<vmem>>
      %dma_wait3A_88 = tpu.memref_squeeze %dma_wait3A_87 : memref<1x128xi32, #tpu.memory_space<vmem>> -> memref<128xi32, #tpu.memory_space<vmem>>
      %dma_wait3A_89 = arith.constant 0 : i32
      %dma_wait3A_90 = arith.constant 0 : i32
      %dma_wait3A_91 = tpu.memref_slice %arg13[%dma_wait3A_89, %dma_wait3A_90] : memref<3200x16xf32, #tpu.memory_space<vmem_shared>> -> memref<3200x16xf32, #tpu.memory_space<vmem_shared>>
      tpu.wait_indirect_dma semaphore(%run_scoped3A_75 : memref<!tpu.dma_semaphore, #tpu.memory_space<semaphore_mem>>) src(%dma_wait3A_85 : memref<128x16xf32, #tpu.memory_space<vmem>>) dst(%dma_wait3A_91 : memref<3200x16xf32, #tpu.memory_space<vmem_shared>>)
      tpu.yield
    }) : () -> ()
    %run_scoped3A_60 = arith.constant 22 : i32
    "tpu.region"() ({
      %run_scoped3A_75 = tpu.sem_alloc : memref<!tpu.dma_semaphore, #tpu.memory_space<semaphore_mem>>
      %dma_start3A = arith.constant 2816 : i32
      %dma_start3A_76 = arith.constant 0 : i32
      %dma_start3A_77 = tpu.memref_slice %arg8[%dma_start3A, %dma_start3A_76] : memref<3200x16xf32, #tpu.memory_space<vmem>> -> memref<128x16xf32, #tpu.memory_space<vmem>>
      %dma_start3A_78 = arith.constant 0 : i32
      %dma_start3A_79 = tpu.memref_slice %arg11[%run_scoped3A_60, %dma_start3A_78] : memref<25x128xi32, #tpu.memory_space<vmem>> -> memref<1x128xi32, #tpu.memory_space<vmem>>
      %dma_start3A_80 = tpu.memref_squeeze %dma_start3A_79 : memref<1x128xi32, #tpu.memory_space<vmem>> -> memref<128xi32, #tpu.memory_space<vmem>>
      %dma_start3A_81 = arith.constant 0 : i32
      %dma_start3A_82 = arith.constant 0 : i32
      %dma_start3A_83 = tpu.memref_slice %arg12[%dma_start3A_81, %dma_start3A_82] : memref<3200x16xf32, #tpu.memory_space<vmem_shared>> -> memref<3200x16xf32, #tpu.memory_space<vmem_shared>>
      tpu.enqueue_indirect_dma source(%dma_start3A_77 : memref<128x16xf32, #tpu.memory_space<vmem>>) target(%dma_start3A_83 : memref<3200x16xf32, #tpu.memory_space<vmem_shared>>) offsets(%dma_start3A_80 : memref<128xi32, #tpu.memory_space<vmem>>) semaphore(%run_scoped3A_75 : memref<!tpu.dma_semaphore, #tpu.memory_space<semaphore_mem>>) {add = true}
      %dma_wait3A = arith.constant 2816 : i32
      %dma_wait3A_84 = arith.constant 0 : i32
      %dma_wait3A_85 = tpu.memref_slice %arg8[%dma_wait3A, %dma_wait3A_84] : memref<3200x16xf32, #tpu.memory_space<vmem>> -> memref<128x16xf32, #tpu.memory_space<vmem>>
      %dma_wait3A_86 = arith.constant 0 : i32
      %dma_wait3A_87 = tpu.memref_slice %arg11[%run_scoped3A_60, %dma_wait3A_86] : memref<25x128xi32, #tpu.memory_space<vmem>> -> memref<1x128xi32, #tpu.memory_space<vmem>>
      %dma_wait3A_88 = tpu.memref_squeeze %dma_wait3A_87 : memref<1x128xi32, #tpu.memory_space<vmem>> -> memref<128xi32, #tpu.memory_space<vmem>>
      %dma_wait3A_89 = arith.constant 0 : i32
      %dma_wait3A_90 = arith.constant 0 : i32
      %dma_wait3A_91 = tpu.memref_slice %arg12[%dma_wait3A_89, %dma_wait3A_90] : memref<3200x16xf32, #tpu.memory_space<vmem_shared>> -> memref<3200x16xf32, #tpu.memory_space<vmem_shared>>
      tpu.wait_indirect_dma semaphore(%run_scoped3A_75 : memref<!tpu.dma_semaphore, #tpu.memory_space<semaphore_mem>>) src(%dma_wait3A_85 : memref<128x16xf32, #tpu.memory_space<vmem>>) dst(%dma_wait3A_91 : memref<3200x16xf32, #tpu.memory_space<vmem_shared>>)
      tpu.yield
    }) : () -> ()
    %run_scoped3A_61 = arith.constant 22 : i32
    "tpu.region"() ({
      %run_scoped3A_75 = tpu.sem_alloc : memref<!tpu.dma_semaphore, #tpu.memory_space<semaphore_mem>>
      %dma_start3A = arith.constant 2816 : i32
      %dma_start3A_76 = arith.constant 0 : i32
      %dma_start3A_77 = tpu.memref_slice %arg9[%dma_start3A, %dma_start3A_76] : memref<3200x16xf32, #tpu.memory_space<vmem>> -> memref<128x16xf32, #tpu.memory_space<vmem>>
      %dma_start3A_78 = arith.constant 0 : i32
      %dma_start3A_79 = tpu.memref_slice %arg11[%run_scoped3A_61, %dma_start3A_78] : memref<25x128xi32, #tpu.memory_space<vmem>> -> memref<1x128xi32, #tpu.memory_space<vmem>>
      %dma_start3A_80 = tpu.memref_squeeze %dma_start3A_79 : memref<1x128xi32, #tpu.memory_space<vmem>> -> memref<128xi32, #tpu.memory_space<vmem>>
      %dma_start3A_81 = arith.constant 0 : i32
      %dma_start3A_82 = arith.constant 0 : i32
      %dma_start3A_83 = tpu.memref_slice %arg13[%dma_start3A_81, %dma_start3A_82] : memref<3200x16xf32, #tpu.memory_space<vmem_shared>> -> memref<3200x16xf32, #tpu.memory_space<vmem_shared>>
      tpu.enqueue_indirect_dma source(%dma_start3A_77 : memref<128x16xf32, #tpu.memory_space<vmem>>) target(%dma_start3A_83 : memref<3200x16xf32, #tpu.memory_space<vmem_shared>>) offsets(%dma_start3A_80 : memref<128xi32, #tpu.memory_space<vmem>>) semaphore(%run_scoped3A_75 : memref<!tpu.dma_semaphore, #tpu.memory_space<semaphore_mem>>) {add = true}
      %dma_wait3A = arith.constant 2816 : i32
      %dma_wait3A_84 = arith.constant 0 : i32
      %dma_wait3A_85 = tpu.memref_slice %arg9[%dma_wait3A, %dma_wait3A_84] : memref<3200x16xf32, #tpu.memory_space<vmem>> -> memref<128x16xf32, #tpu.memory_space<vmem>>
      %dma_wait3A_86 = arith.constant 0 : i32
      %dma_wait3A_87 = tpu.memref_slice %arg11[%run_scoped3A_61, %dma_wait3A_86] : memref<25x128xi32, #tpu.memory_space<vmem>> -> memref<1x128xi32, #tpu.memory_space<vmem>>
      %dma_wait3A_88 = tpu.memref_squeeze %dma_wait3A_87 : memref<1x128xi32, #tpu.memory_space<vmem>> -> memref<128xi32, #tpu.memory_space<vmem>>
      %dma_wait3A_89 = arith.constant 0 : i32
      %dma_wait3A_90 = arith.constant 0 : i32
      %dma_wait3A_91 = tpu.memref_slice %arg13[%dma_wait3A_89, %dma_wait3A_90] : memref<3200x16xf32, #tpu.memory_space<vmem_shared>> -> memref<3200x16xf32, #tpu.memory_space<vmem_shared>>
      tpu.wait_indirect_dma semaphore(%run_scoped3A_75 : memref<!tpu.dma_semaphore, #tpu.memory_space<semaphore_mem>>) src(%dma_wait3A_85 : memref<128x16xf32, #tpu.memory_space<vmem>>) dst(%dma_wait3A_91 : memref<3200x16xf32, #tpu.memory_space<vmem_shared>>)
      tpu.yield
    }) : () -> ()
    %run_scoped3A_62 = arith.constant 23 : i32
    "tpu.region"() ({
      %run_scoped3A_75 = tpu.sem_alloc : memref<!tpu.dma_semaphore, #tpu.memory_space<semaphore_mem>>
      %dma_start3A = arith.constant 2944 : i32
      %dma_start3A_76 = arith.constant 0 : i32
      %dma_start3A_77 = tpu.memref_slice %arg8[%dma_start3A, %dma_start3A_76] : memref<3200x16xf32, #tpu.memory_space<vmem>> -> memref<128x16xf32, #tpu.memory_space<vmem>>
      %dma_start3A_78 = arith.constant 0 : i32
      %dma_start3A_79 = tpu.memref_slice %arg11[%run_scoped3A_62, %dma_start3A_78] : memref<25x128xi32, #tpu.memory_space<vmem>> -> memref<1x128xi32, #tpu.memory_space<vmem>>
      %dma_start3A_80 = tpu.memref_squeeze %dma_start3A_79 : memref<1x128xi32, #tpu.memory_space<vmem>> -> memref<128xi32, #tpu.memory_space<vmem>>
      %dma_start3A_81 = arith.constant 0 : i32
      %dma_start3A_82 = arith.constant 0 : i32
      %dma_start3A_83 = tpu.memref_slice %arg12[%dma_start3A_81, %dma_start3A_82] : memref<3200x16xf32, #tpu.memory_space<vmem_shared>> -> memref<3200x16xf32, #tpu.memory_space<vmem_shared>>
      tpu.enqueue_indirect_dma source(%dma_start3A_77 : memref<128x16xf32, #tpu.memory_space<vmem>>) target(%dma_start3A_83 : memref<3200x16xf32, #tpu.memory_space<vmem_shared>>) offsets(%dma_start3A_80 : memref<128xi32, #tpu.memory_space<vmem>>) semaphore(%run_scoped3A_75 : memref<!tpu.dma_semaphore, #tpu.memory_space<semaphore_mem>>) {add = true}
      %dma_wait3A = arith.constant 2944 : i32
      %dma_wait3A_84 = arith.constant 0 : i32
      %dma_wait3A_85 = tpu.memref_slice %arg8[%dma_wait3A, %dma_wait3A_84] : memref<3200x16xf32, #tpu.memory_space<vmem>> -> memref<128x16xf32, #tpu.memory_space<vmem>>
      %dma_wait3A_86 = arith.constant 0 : i32
      %dma_wait3A_87 = tpu.memref_slice %arg11[%run_scoped3A_62, %dma_wait3A_86] : memref<25x128xi32, #tpu.memory_space<vmem>> -> memref<1x128xi32, #tpu.memory_space<vmem>>
      %dma_wait3A_88 = tpu.memref_squeeze %dma_wait3A_87 : memref<1x128xi32, #tpu.memory_space<vmem>> -> memref<128xi32, #tpu.memory_space<vmem>>
      %dma_wait3A_89 = arith.constant 0 : i32
      %dma_wait3A_90 = arith.constant 0 : i32
      %dma_wait3A_91 = tpu.memref_slice %arg12[%dma_wait3A_89, %dma_wait3A_90] : memref<3200x16xf32, #tpu.memory_space<vmem_shared>> -> memref<3200x16xf32, #tpu.memory_space<vmem_shared>>
      tpu.wait_indirect_dma semaphore(%run_scoped3A_75 : memref<!tpu.dma_semaphore, #tpu.memory_space<semaphore_mem>>) src(%dma_wait3A_85 : memref<128x16xf32, #tpu.memory_space<vmem>>) dst(%dma_wait3A_91 : memref<3200x16xf32, #tpu.memory_space<vmem_shared>>)
      tpu.yield
    }) : () -> ()
    %run_scoped3A_63 = arith.constant 23 : i32
    "tpu.region"() ({
      %run_scoped3A_75 = tpu.sem_alloc : memref<!tpu.dma_semaphore, #tpu.memory_space<semaphore_mem>>
      %dma_start3A = arith.constant 2944 : i32
      %dma_start3A_76 = arith.constant 0 : i32
      %dma_start3A_77 = tpu.memref_slice %arg9[%dma_start3A, %dma_start3A_76] : memref<3200x16xf32, #tpu.memory_space<vmem>> -> memref<128x16xf32, #tpu.memory_space<vmem>>
      %dma_start3A_78 = arith.constant 0 : i32
      %dma_start3A_79 = tpu.memref_slice %arg11[%run_scoped3A_63, %dma_start3A_78] : memref<25x128xi32, #tpu.memory_space<vmem>> -> memref<1x128xi32, #tpu.memory_space<vmem>>
      %dma_start3A_80 = tpu.memref_squeeze %dma_start3A_79 : memref<1x128xi32, #tpu.memory_space<vmem>> -> memref<128xi32, #tpu.memory_space<vmem>>
      %dma_start3A_81 = arith.constant 0 : i32
      %dma_start3A_82 = arith.constant 0 : i32
      %dma_start3A_83 = tpu.memref_slice %arg13[%dma_start3A_81, %dma_start3A_82] : memref<3200x16xf32, #tpu.memory_space<vmem_shared>> -> memref<3200x16xf32, #tpu.memory_space<vmem_shared>>
      tpu.enqueue_indirect_dma source(%dma_start3A_77 : memref<128x16xf32, #tpu.memory_space<vmem>>) target(%dma_start3A_83 : memref<3200x16xf32, #tpu.memory_space<vmem_shared>>) offsets(%dma_start3A_80 : memref<128xi32, #tpu.memory_space<vmem>>) semaphore(%run_scoped3A_75 : memref<!tpu.dma_semaphore, #tpu.memory_space<semaphore_mem>>) {add = true}
      %dma_wait3A = arith.constant 2944 : i32
      %dma_wait3A_84 = arith.constant 0 : i32
      %dma_wait3A_85 = tpu.memref_slice %arg9[%dma_wait3A, %dma_wait3A_84] : memref<3200x16xf32, #tpu.memory_space<vmem>> -> memref<128x16xf32, #tpu.memory_space<vmem>>
      %dma_wait3A_86 = arith.constant 0 : i32
      %dma_wait3A_87 = tpu.memref_slice %arg11[%run_scoped3A_63, %dma_wait3A_86] : memref<25x128xi32, #tpu.memory_space<vmem>> -> memref<1x128xi32, #tpu.memory_space<vmem>>
      %dma_wait3A_88 = tpu.memref_squeeze %dma_wait3A_87 : memref<1x128xi32, #tpu.memory_space<vmem>> -> memref<128xi32, #tpu.memory_space<vmem>>
      %dma_wait3A_89 = arith.constant 0 : i32
      %dma_wait3A_90 = arith.constant 0 : i32
      %dma_wait3A_91 = tpu.memref_slice %arg13[%dma_wait3A_89, %dma_wait3A_90] : memref<3200x16xf32, #tpu.memory_space<vmem_shared>> -> memref<3200x16xf32, #tpu.memory_space<vmem_shared>>
      tpu.wait_indirect_dma semaphore(%run_scoped3A_75 : memref<!tpu.dma_semaphore, #tpu.memory_space<semaphore_mem>>) src(%dma_wait3A_85 : memref<128x16xf32, #tpu.memory_space<vmem>>) dst(%dma_wait3A_91 : memref<3200x16xf32, #tpu.memory_space<vmem_shared>>)
      tpu.yield
    }) : () -> ()
    %run_scoped3A_64 = arith.constant 24 : i32
    "tpu.region"() ({
      %run_scoped3A_75 = tpu.sem_alloc : memref<!tpu.dma_semaphore, #tpu.memory_space<semaphore_mem>>
      %dma_start3A = arith.constant 3072 : i32
      %dma_start3A_76 = arith.constant 0 : i32
      %dma_start3A_77 = tpu.memref_slice %arg8[%dma_start3A, %dma_start3A_76] : memref<3200x16xf32, #tpu.memory_space<vmem>> -> memref<128x16xf32, #tpu.memory_space<vmem>>
      %dma_start3A_78 = arith.constant 0 : i32
      %dma_start3A_79 = tpu.memref_slice %arg11[%run_scoped3A_64, %dma_start3A_78] : memref<25x128xi32, #tpu.memory_space<vmem>> -> memref<1x128xi32, #tpu.memory_space<vmem>>
      %dma_start3A_80 = tpu.memref_squeeze %dma_start3A_79 : memref<1x128xi32, #tpu.memory_space<vmem>> -> memref<128xi32, #tpu.memory_space<vmem>>
      %dma_start3A_81 = arith.constant 0 : i32
      %dma_start3A_82 = arith.constant 0 : i32
      %dma_start3A_83 = tpu.memref_slice %arg12[%dma_start3A_81, %dma_start3A_82] : memref<3200x16xf32, #tpu.memory_space<vmem_shared>> -> memref<3200x16xf32, #tpu.memory_space<vmem_shared>>
      tpu.enqueue_indirect_dma source(%dma_start3A_77 : memref<128x16xf32, #tpu.memory_space<vmem>>) target(%dma_start3A_83 : memref<3200x16xf32, #tpu.memory_space<vmem_shared>>) offsets(%dma_start3A_80 : memref<128xi32, #tpu.memory_space<vmem>>) semaphore(%run_scoped3A_75 : memref<!tpu.dma_semaphore, #tpu.memory_space<semaphore_mem>>) {add = true}
      %dma_wait3A = arith.constant 3072 : i32
      %dma_wait3A_84 = arith.constant 0 : i32
      %dma_wait3A_85 = tpu.memref_slice %arg8[%dma_wait3A, %dma_wait3A_84] : memref<3200x16xf32, #tpu.memory_space<vmem>> -> memref<128x16xf32, #tpu.memory_space<vmem>>
      %dma_wait3A_86 = arith.constant 0 : i32
      %dma_wait3A_87 = tpu.memref_slice %arg11[%run_scoped3A_64, %dma_wait3A_86] : memref<25x128xi32, #tpu.memory_space<vmem>> -> memref<1x128xi32, #tpu.memory_space<vmem>>
      %dma_wait3A_88 = tpu.memref_squeeze %dma_wait3A_87 : memref<1x128xi32, #tpu.memory_space<vmem>> -> memref<128xi32, #tpu.memory_space<vmem>>
      %dma_wait3A_89 = arith.constant 0 : i32
      %dma_wait3A_90 = arith.constant 0 : i32
      %dma_wait3A_91 = tpu.memref_slice %arg12[%dma_wait3A_89, %dma_wait3A_90] : memref<3200x16xf32, #tpu.memory_space<vmem_shared>> -> memref<3200x16xf32, #tpu.memory_space<vmem_shared>>
      tpu.wait_indirect_dma semaphore(%run_scoped3A_75 : memref<!tpu.dma_semaphore, #tpu.memory_space<semaphore_mem>>) src(%dma_wait3A_85 : memref<128x16xf32, #tpu.memory_space<vmem>>) dst(%dma_wait3A_91 : memref<3200x16xf32, #tpu.memory_space<vmem_shared>>)
      tpu.yield
    }) : () -> ()
    %run_scoped3A_65 = arith.constant 24 : i32
    "tpu.region"() ({
      %run_scoped3A_75 = tpu.sem_alloc : memref<!tpu.dma_semaphore, #tpu.memory_space<semaphore_mem>>
      %dma_start3A = arith.constant 3072 : i32
      %dma_start3A_76 = arith.constant 0 : i32
      %dma_start3A_77 = tpu.memref_slice %arg9[%dma_start3A, %dma_start3A_76] : memref<3200x16xf32, #tpu.memory_space<vmem>> -> memref<128x16xf32, #tpu.memory_space<vmem>>
      %dma_start3A_78 = arith.constant 0 : i32
      %dma_start3A_79 = tpu.memref_slice %arg11[%run_scoped3A_65, %dma_start3A_78] : memref<25x128xi32, #tpu.memory_space<vmem>> -> memref<1x128xi32, #tpu.memory_space<vmem>>
      %dma_start3A_80 = tpu.memref_squeeze %dma_start3A_79 : memref<1x128xi32, #tpu.memory_space<vmem>> -> memref<128xi32, #tpu.memory_space<vmem>>
      %dma_start3A_81 = arith.constant 0 : i32
      %dma_start3A_82 = arith.constant 0 : i32
      %dma_start3A_83 = tpu.memref_slice %arg13[%dma_start3A_81, %dma_start3A_82] : memref<3200x16xf32, #tpu.memory_space<vmem_shared>> -> memref<3200x16xf32, #tpu.memory_space<vmem_shared>>
      tpu.enqueue_indirect_dma source(%dma_start3A_77 : memref<128x16xf32, #tpu.memory_space<vmem>>) target(%dma_start3A_83 : memref<3200x16xf32, #tpu.memory_space<vmem_shared>>) offsets(%dma_start3A_80 : memref<128xi32, #tpu.memory_space<vmem>>) semaphore(%run_scoped3A_75 : memref<!tpu.dma_semaphore, #tpu.memory_space<semaphore_mem>>) {add = true}
      %dma_wait3A = arith.constant 3072 : i32
      %dma_wait3A_84 = arith.constant 0 : i32
      %dma_wait3A_85 = tpu.memref_slice %arg9[%dma_wait3A, %dma_wait3A_84] : memref<3200x16xf32, #tpu.memory_space<vmem>> -> memref<128x16xf32, #tpu.memory_space<vmem>>
      %dma_wait3A_86 = arith.constant 0 : i32
      %dma_wait3A_87 = tpu.memref_slice %arg11[%run_scoped3A_65, %dma_wait3A_86] : memref<25x128xi32, #tpu.memory_space<vmem>> -> memref<1x128xi32, #tpu.memory_space<vmem>>
      %dma_wait3A_88 = tpu.memref_squeeze %dma_wait3A_87 : memref<1x128xi32, #tpu.memory_space<vmem>> -> memref<128xi32, #tpu.memory_space<vmem>>
      %dma_wait3A_89 = arith.constant 0 : i32
      %dma_wait3A_90 = arith.constant 0 : i32
      %dma_wait3A_91 = tpu.memref_slice %arg13[%dma_wait3A_89, %dma_wait3A_90] : memref<3200x16xf32, #tpu.memory_space<vmem_shared>> -> memref<3200x16xf32, #tpu.memory_space<vmem_shared>>
      tpu.wait_indirect_dma semaphore(%run_scoped3A_75 : memref<!tpu.dma_semaphore, #tpu.memory_space<semaphore_mem>>) src(%dma_wait3A_85 : memref<128x16xf32, #tpu.memory_space<vmem>>) dst(%dma_wait3A_91 : memref<3200x16xf32, #tpu.memory_space<vmem_shared>>)
      tpu.yield
    }) : () -> ()
    %barrier3A_66 = arith.constant 0 : index
    tpu.barrier barrier_id(%barrier3A_66)
    %mul3A_67 = arith.constant 200 : i32
    %mul3A_68 = arith.muli %arg1, %mul3A_67 : i32
    %mul3A_69 = arith.constant 200 : i32
    %mul3A_70 = arith.muli %arg1, %mul3A_69 : i32
    "tpu.region"() ({
      %run_scoped3A_75 = tpu.sem_alloc : memref<!tpu.dma_semaphore, #tpu.memory_space<semaphore_mem>>
      %dma_start3A = arith.constant 0 : i32
      %dma_start3A_76 = tpu.memref_slice %arg6[%mul3A_70, %dma_start3A] : memref<3200x16xf32, #tpu.memory_space<hbm>> -> memref<200x16xf32, #tpu.memory_space<hbm>>
      %dma_start3A_77 = arith.constant 0 : i32
      %dma_start3A_78 = tpu.memref_slice %arg12[%mul3A_68, %dma_start3A_77] : memref<3200x16xf32, #tpu.memory_space<vmem_shared>> -> memref<200x16xf32, #tpu.memory_space<vmem_shared>>
      tpu.enqueue_dma source(%dma_start3A_78 : memref<200x16xf32, #tpu.memory_space<vmem_shared>>) target(%dma_start3A_76 : memref<200x16xf32, #tpu.memory_space<hbm>>) target_semaphore(%run_scoped3A_75 : memref<!tpu.dma_semaphore, #tpu.memory_space<semaphore_mem>>)
      %dma_wait3A = arith.constant 0 : i32
      %dma_wait3A_79 = tpu.memref_slice %arg6[%mul3A_70, %dma_wait3A] : memref<3200x16xf32, #tpu.memory_space<hbm>> -> memref<200x16xf32, #tpu.memory_space<hbm>>
      %dma_wait3A_80 = arith.constant 0 : i32
      %dma_wait3A_81 = tpu.memref_slice %arg12[%mul3A_68, %dma_wait3A_80] : memref<3200x16xf32, #tpu.memory_space<vmem_shared>> -> memref<200x16xf32, #tpu.memory_space<vmem_shared>>
      tpu.wait_dma2 semaphore(%run_scoped3A_75 : memref<!tpu.dma_semaphore, #tpu.memory_space<semaphore_mem>>) src(%dma_wait3A_81 : memref<200x16xf32, #tpu.memory_space<vmem_shared>>) dst(%dma_wait3A_79 : memref<200x16xf32, #tpu.memory_space<hbm>>)
      tpu.yield
    }) : () -> ()
    %mul3A_71 = arith.constant 200 : i32
    %mul3A_72 = arith.muli %arg1, %mul3A_71 : i32
    %mul3A_73 = arith.constant 200 : i32
    %mul3A_74 = arith.muli %arg1, %mul3A_73 : i32
    "tpu.region"() ({
      %run_scoped3A_75 = tpu.sem_alloc : memref<!tpu.dma_semaphore, #tpu.memory_space<semaphore_mem>>
      %dma_start3A = arith.constant 0 : i32
      %dma_start3A_76 = tpu.memref_slice %arg7[%mul3A_74, %dma_start3A] : memref<3200x16xf32, #tpu.memory_space<hbm>> -> memref<200x16xf32, #tpu.memory_space<hbm>>
      %dma_start3A_77 = arith.constant 0 : i32
      %dma_start3A_78 = tpu.memref_slice %arg13[%mul3A_72, %dma_start3A_77] : memref<3200x16xf32, #tpu.memory_space<vmem_shared>> -> memref<200x16xf32, #tpu.memory_space<vmem_shared>>
      tpu.enqueue_dma source(%dma_start3A_78 : memref<200x16xf32, #tpu.memory_space<vmem_shared>>) target(%dma_start3A_76 : memref<200x16xf32, #tpu.memory_space<hbm>>) target_semaphore(%run_scoped3A_75 : memref<!tpu.dma_semaphore, #tpu.memory_space<semaphore_mem>>)
      %dma_wait3A = arith.constant 0 : i32
      %dma_wait3A_79 = tpu.memref_slice %arg7[%mul3A_74, %dma_wait3A] : memref<3200x16xf32, #tpu.memory_space<hbm>> -> memref<200x16xf32, #tpu.memory_space<hbm>>
      %dma_wait3A_80 = arith.constant 0 : i32
      %dma_wait3A_81 = tpu.memref_slice %arg13[%mul3A_72, %dma_wait3A_80] : memref<3200x16xf32, #tpu.memory_space<vmem_shared>> -> memref<200x16xf32, #tpu.memory_space<vmem_shared>>
      tpu.wait_dma2 semaphore(%run_scoped3A_75 : memref<!tpu.dma_semaphore, #tpu.memory_space<semaphore_mem>>) src(%dma_wait3A_81 : memref<200x16xf32, #tpu.memory_space<vmem_shared>>) dst(%dma_wait3A_79 : memref<200x16xf32, #tpu.memory_space<hbm>>)
      tpu.yield
    }) : () -> ()
    return
  }
}

</mosaic_0001>

<sc_bundles>
// kernel: _degrees.3.cloned.1.call-start
scs
__scs_entry_jumppad:
0x0: {  	(pc) =	sbr.rel $0x88, $3  }
0x1: {  	(tag) =	ssettag $0x0;
	lr =	simm.s32 $0x1  }
0x2: {  	[smem:$0x3F9D] =	sst lr;
	_ =	strace $0xD0000000  }
0x3: {  	_ = 	snop  }
0x4: {  	_ = 	snop  }
0x5: {  	_ = 	snop  }
0x6: {  	_ = 	snop  }
0x7: {  	_ = 	snop  }
__scs_overlays_trampoline_lowered:
0x8: {  	[smem:$0x3FAC] =	sst s0  }
0x9: {  	[smem:$0x3FAD] =	sst s1  }
0xa: {  	[smem:$0x3FAE] =	sst s2  }
0xb: {  	[smem:$0x3FAF] =	sst s3  }
0xc: {  	[smem:$0x3FB0] =	sst s4  }
0xd: {  	[smem:$0x3FB1] =	sst s5  }
0xe: {  	[smem:$0x3FB2] =	sst s6  }
0xf: {  	[smem:$0x3FB3] =	sst s7  }
0x10: {  	[smem:$0x3FB4] =	sst s8  }
0x11: {  	[smem:$0x3FB5] =	sst s9;
	s0 =	simm.s32 @!p0 $0x0  }
0x12: {  	s1 =	sld [smem:$0x3F9B];
	s0 =	simm.s32 @p0 $0x1  }
0x13: {  	[smem:$0x3FB6] =	sst s0;
	s0 =	simm.s32 @!p1 $0x0  }
0x14: {  	s2 =	sld [smem:$0x3F9A];
	s0 =	simm.s32 @p1 $0x1  }
0x15: {  	[smem:$0x3FB7] =	sst s0;
	s0 =	simm.s32 @!p2 $0x0  }
0x16: {  	s3 =	sld [smem:$0x3FDB];
	s0 =	simm.s32 @p2 $0x1  }
0x17: {  	s4 =	simm.s32 $0x1BF5;
	[smem:$0x3FB9] =	sst s0  }
0x18: {  	s0 =	sld [smem:$0x3F9C];
	_ =	swait.ge [sflag:s4], $0x0  }
0x19: {  	s7 =	sld [smem:$0x3F9D]  }
0x1a: {  	s8 =	sadd.s32 $0xFFFFE003, lr  }
0x1b: {  	s9 =	sadd.s32 $0xFFFFFEF7, lr;
	s5 =	simm.s32 $0xFFFFFFFF;
	p2 =	slt.u32 s8, $0xFFFFF086  }
0x1c: {  	p1 =	slt.u32 s9, $0xF7A;
	s5 =	simm.s32 @!p2 $0x0  }
0x1d: {  	s5 =	simm.s32 @p1 $0x1;
	p0 =	seq.s32 s7, s2  }
0x1e: {  	s7 =	smul.u32 @!p0 $0xF7A, s2;
	p2 =	seq.s32 @!p0 s5, $0x0  }
0x1f: {  	s9 =	smul.u32 $0xF7A, s1;
	s8 =	simm.s32 @!p0 $0x1BF5;
	p2 =	por !p2, p0  }
0x20: {  	[sflag:s8] =	ssyncset.s32 @!p0 $0xFFFFF086;
	s6 =	sadd.s32 @!p0 s3, s7;
	s7 =	simm.s32 @!p0 $0x108  }
0x21: {  	s3 =	sadd.s32 s3, s9;
	s6 =	sadd.s32 @!p0 $0x88, s6;
	s7 =	simm.s32 @p2 $0x1082  }
0x22: {  	[simem:s7], [sflag:s8] =	dma.local @!p0 [hbm:s6], $0xF7A  }
0x23: {  	s9 =	sor.u32 $0xD0000000, s2;
	s6 =	simm.s32 $0x108;
	_ =	swait.ge @!p0 [sflag:s8], $0x0  }
0x24: {  	s3 =	sadd.s32 $0x88, s3;
	s6 =	simm.s32 @!p1 $0x1082;
	[sflag:s4] =	ssyncset.s32 $0xFFFFF086  }
0x25: {  	[simem:s6], [sflag:s4] =	dma.local [hbm:s3], $0xF7A  }
0x26: {  	[smem:$0x3F9D] =	sst s1;
	(tag) =	ssettag s2;
	_ =	strace s9  }
0x27: {  	s1 =	sld [smem:$0x3FAD]  }
0x28: {  	s2 =	sld [smem:$0x3FAE]  }
0x29: {  	s4 =	sld [smem:$0x3FB0]  }
0x2a: {  	p0 =	seq.s32 s5, $0x0;
	s5 =	sld [smem:$0x3FB1]  }
0x2b: {  	s6 =	sld [smem:$0x3FB2]  }
0x2c: {  	s7 =	sld [smem:$0x3FB3]  }
0x2d: {  	s3 =	simm.s32 $0x108;
	s8 =	sld [smem:$0x3FB4]  }
0x2e: {  	s3 =	simm.s32 @!p0 $0x1082;
	s9 =	sld [smem:$0x3FB5]  }
0x2f: {  	lr =	sadd.s32 s0, s3;
	s0 =	sld [smem:$0x3FAC]  }
0x30: {  	s3 =	sld [smem:$0x3FAF]  }
0x31: {  	[smem:$0x3FB8] =	sst s10  }
0x32: {  	s10 =	sld [smem:$0x3FB6];
	_ =	sdelay $0x3  }
0x33: {  	p0 =	seq.s32 s10, $0x1;
	s10 =	sld [smem:$0x3FB8];
	_ =	sdelay $0x3  }
0x34: {  	[smem:$0x3FB8] =	sst s10  }
0x35: {  	s10 =	sld [smem:$0x3FB7];
	_ =	sdelay $0x3  }
0x36: {  	p1 =	seq.s32 s10, $0x1;
	s10 =	sld [smem:$0x3FB8];
	_ =	sdelay $0x3  }
0x37: {  	[smem:$0x3FB8] =	sst s10  }
0x38: {  	s10 =	sld [smem:$0x3FB9]  }
0x39: {  	_ = 	snop;
	(pc) =	sbr.ind lr, $3  }
0x3a: {  	_ = 	snop  }
0x3b: {  	_ = 	snop  }
0x3c: {  	p2 =	seq.s32 s10, $0x1;
	s10 =	sld [smem:$0x3FB8]  }
0x3d: {  	_ =	shalt  }
0x3e: {  	_ =	shalt  }
0x3f: {  	_ =	shalt  }
0x40: {  	_ =	shalt  }
0x41: {  	_ =	shalt  }
0x42: {  	_ =	shalt  }
0x43: {  	_ =	shalt  }
0x44: {  	_ =	shalt  }
0x45: {  	_ =	shalt  }
0x46: {  	_ =	shalt  }
0x47: {  	_ =	shalt  }
0x48: {  	_ =	shalt  }
0x49: {  	_ =	shalt  }
0x4a: {  	_ =	shalt  }
0x4b: {  	_ =	shalt  }
0x4c: {  	_ =	shalt  }
0x4d: {  	_ =	shalt  }
0x4e: {  	_ =	shalt  }
0x4f: {  	_ =	shalt  }
0x50: {  	_ =	shalt  }
0x51: {  	_ =	shalt  }
0x52: {  	_ =	shalt  }
0x53: {  	_ =	shalt  }
0x54: {  	_ =	shalt  }
0x55: {  	_ =	shalt  }
0x56: {  	_ =	shalt  }
0x57: {  	_ =	shalt  }
0x58: {  	_ =	shalt  }
0x59: {  	_ =	shalt  }
0x5a: {  	_ =	shalt  }
0x5b: {  	_ =	shalt  }
0x5c: {  	_ =	shalt  }
0x5d: {  	_ =	shalt  }
0x5e: {  	_ =	shalt  }
0x5f: {  	_ =	shalt  }
0x60: {  	_ =	shalt  }
0x61: {  	_ =	shalt  }
0x62: {  	_ =	shalt  }
0x63: {  	_ =	shalt  }
0x64: {  	_ =	shalt  }
0x65: {  	_ =	shalt  }
0x66: {  	_ =	shalt  }
0x67: {  	_ =	shalt  }
0x68: {  	_ =	shalt  }
0x69: {  	_ =	shalt  }
0x6a: {  	_ =	shalt  }
0x6b: {  	_ =	shalt  }
0x6c: {  	_ =	shalt  }
0x6d: {  	_ =	shalt  }
0x6e: {  	_ =	shalt  }
0x6f: {  	_ =	shalt  }
0x70: {  	_ =	shalt  }
0x71: {  	_ =	shalt  }
0x72: {  	_ =	shalt  }
0x73: {  	_ =	shalt  }
0x74: {  	_ =	shalt  }
0x75: {  	_ =	shalt  }
0x76: {  	_ =	shalt  }
0x77: {  	_ =	shalt  }
0x78: {  	_ =	shalt  }
0x79: {  	_ =	shalt  }
0x7a: {  	_ =	shalt  }
0x7b: {  	_ =	shalt  }
0x7c: {  	_ =	shalt  }
0x7d: {  	_ =	shalt  }
0x7e: {  	_ =	shalt  }
0x7f: {  	_ =	shalt  }
0x80: {  	_ =	shalt  }
0x81: {  	_ =	shalt  }
0x82: {  	_ =	shalt  }
0x83: {  	_ =	shalt  }
0x84: {  	_ =	shalt  }
0x85: {  	_ =	shalt  }
0x86: {  	_ =	shalt  }
0x87: {  	_ =	shalt  }
.Lfunc_end0:
.L_simem_size_0:
called_computation_lowered:
.L_overlay_start_0:
0x88: {  	s2 =	sld [smem:$0x3FD9]  }
0x89: {  	s3 =	sld [smem:$0x3FFE];
	_ =	sdelay $0x1  }
0x8a: {  	s1 =	srdreg.scid  }
0x8b: {  	s0 =	sand.u32 $0x1, s1  }
0x8c: {  	s14 =	sshll.u32 s0, $0xA;
	s2 =	sadd.s32 s3, s2  }
0x8d: {  	s2 =	sadd.s32 s2, s14  }
0x8e: {  	[smem:$0x3FC4] =	sst s2  }
0x8f: {  	_ = 	snop  }
0x90: {  	s2 =	sld [smem:$0x3FD0]  }
0x91: {  	s15 =	sld [smem:$0x3FC9]  }
0x92: {  	s4 =	sld [smem:$0x3FC8]  }
0x93: {  	s6 =	simm.s32 $0xA;
	s7 =	simm.s32 $0x10;
	s5 =	sld [smem:$0x3FC7]  }
0x94: {  	[smem:s7], [sflag:s6] =	dma.local [hbm:s2], $0x1  }
0x95: {  	_ =	swait.eq [sflag:s6], $0x1  }
0x96: {  	[sflag:s6] =	ssyncset.done $0x0  }
0x97: {  	s16 =	sld [smem:$0x10];
	[sflag:s6] =	ssyncadd.s32 $0xFFFFFFFF  }
0x98: {  	s17 =	sld [smem:$0x11];
	(tm) =	ssettm $0x1  }
0x99: {  	s18 =	sld [smem:$0x3FFB];
	_ =	sdelay $0x3  }
0x9a: {  	_ =	strace s18  }
0x9b: {  	s7 =	sld [smem:$0x3FFC];
	_ =	sdelay $0x3  }
0x9c: {  	_ =	strace s7  }
0x9d: {  	s7 =	sld [smem:$0x3FFD];
	_ =	sdelay $0x3  }
0x9e: {  	_ =	strace s7  }
0x9f: {  	_ =	strace $0x8FFFFFFF  }
0xa0: {  	s19 =	sld [smem:$0x3FDB];
	_ =	sdelay $0x1  }
0xa1: {  	s8 =	simm.s32 $_scs_section_size  }
0xa2: {  	s9 =	simm.s32 $_size__tile_overlayer_lowered;
	s10 =	simm.s32 $_tile_overlayer_lowered  }
0xa3: {  	s22 =	simm.s32 $0x1BFF;
	s21 =	sshll.u32 s10, $0x1;
	s7 =	sadd.s32 s8, s19  }
0xa4: {  	s11 =	simm.s32 $0x0;
	s20 =	sshll.u32 s9, $0x1;
	s9 =	sadd.s32 s21, s7  }
0xa5: {  	[timem:s11], [sflag:s22] =	dma.local [hbm:s9], s20  }
0xa6: {  	_ =	swait.ge [sflag:s22], s20  }
0xa7: {  	s8 =	ssub.s32 $0x0, s20;
	[sflag:s22] =	ssyncset.done $0x0  }
0xa8: {  	[sflag:s22] =	ssyncadd.s32 s8;
	_ =	sdelay $0x1  }
0xa9: {  	s23 =	simm.s32 $0x1B8B  }
0xaa: {  	_ =	swait.ge [sflag:s23], $0x1  }
0xab: {  	[sflag:s23] =	ssyncset.done $0x0  }
0xac: {  	s25 =	simm.s32 $0x1B8E;
	s24 =	sld [smem:$0x3FFE];
	[sflag:s23] =	ssyncadd.s32 $0xFFFFFFFF  }
0xad: {  	s26 =	simm.s32 $execute0_lowered;
	[smem:$0x3FD2] =	sst s25  }
0xae: {  	s9 =	sshll.u32 s26, $0x1;
	_ =	strace $0x80000046;
	[dreg:$0x1] =	wrdreg $0xFFFFFFFF  }
0xaf: {  	s28 =	simm.s32 $_size_execute0_lowered;
	s7 =	sadd.s32 s7, s9;
	[dreg:$0x0] =	wrdreg $0x0  }
0xb0: {  	s9 =	sshll.u32 s28, $0x1;
	[dreg:$0x2] =	wrdreg s7  }
0xb1: {  	[dreg:$0x3] =	wrdreg s9  }
0xb2: {  	[dreg:$0x4] =	wrdreg $0xC0  }
0xb3: {  	_ =	task [dreg:s11], $0x5FFFF  }
0xb4: {  	[dreg:$0x1] =	wrdreg $0xFFFFFFFF  }
0xb5: {  	[dreg:$0x0] =	wrdreg $0x60  }
0xb6: {  	[dreg:$0x2] =	wrdreg s15  }
0xb7: {  	[dreg:$0x3] =	wrdreg s4  }
0xb8: {  	[dreg:$0x4] =	wrdreg s5  }
0xb9: {  	[dreg:$0x5] =	wrdreg s17  }
0xba: {  	[dreg:$0x6] =	wrdreg s16  }
0xbb: {  	[dreg:$0x7] =	wrdreg s24  }
0xbc: {  	[dreg:$0x8] =	wrdreg $0x1A9000  }
0xbd: {  	[dreg:$0x9] =	wrdreg $0x1B5800  }
0xbe: {  	[dreg:$0xa] =	wrdreg $0x9  }
0xbf: {  	_ =	task.clear_ibuf [dreg:s11], $0xBFFFF;
	_ =	strace $0x90000046  }
0xc0: {  	s29 =	simm.s32 $0x9;
	_ =	strace $0x80000048  }
0xc1: {  	_ =	swait.ge [sflag:s29], $0x1  }
0xc2: {  	[sflag:s29] =	ssyncadd.s32 $0xFFFFFFFF  }
0xc3: {  	_ =	strace $0x90000048  }
0xc4: {  	_ =	sfence  }
0xc5: {  	s30 =	sld [smem:$0x0];
	_ =	sdelay $0x2  }
0xc6: {  	s31 =	sshll.u32 s1, $0xD;
	s1 =	sshrl.u32 s1, $0x2  }
0xc7: {  	s3 =	sand.u32 $0x4000, s31;
	s1 =	sadd.s32 s1, s30  }
0xc8: {  	s0 =	sor.u32 s3, s0;
	s1 =	sshll.u32 s1, $0x11  }
0xc9: {  	s0 =	sor.u32 s1, s0  }
0xca: {  	s0 =	sadd.s32 $0x8F2B, s0  }
0xcb: {  	[sflag:s0] =	ssyncadd.remote.s32 $0x1  }
0xcc: {  	_ =	sfence.sel $0xFFFF  }
0xcd: {  	[dreg:$0x0] =	wrdreg $0xFFFFFFFF;
	(pc) =	sbr.abs _section_cstart, $3  }
0xce: {  	[dreg:$0x1] =	wrdreg $0xFFFFFFFF  }
0xcf: {  	_ =	task.clear_ibuf [dreg:s11], $0x2FFFF;
	_ =	strace $0x9FFFFFFF  }
0xd0: {  	(tm) =	ssettm $0x7FFFFFFF  }
0xd1: {  	_ =	shalt  }
tec
execute0_lowered:
.L_overlay_start_1:
0x0: {  	(tag) =	ssettag $0x1  }
0x1: {  	s0 =	rddreg [dreg:$0x0]  }
0x2: {  	s1 =	rddreg [dreg:$0x1]  }
0x3: {  	s10 =	rddreg [dreg:$0x3]  }
0x4: {  	s2 =	rddreg [dreg:$0x4]  }
0x5: {  	s3 =	rddreg [dreg:$0x5]  }
0x6: {  	s6 =	rddreg [dreg:$0x6]  }
0x7: {  	s7 =	rddreg [dreg:$0x7];
	s13 =	stileid.u32  }
0x8: {  	s5 =	srdreg.scid;
	s8 =	simm.s32 $0x0;
	s14 =	simm.s32 $0x1  }
0x9: {  	s15 =	simm.s32 $0xC800;
	s16 =	simm.s32 $0x19C80;
	s20 =	simm.s32 $0x19000  }
0xa: {  	s21 =	simm.s32 $0x80;
	s22 =	simm.s32 $0x1A500;
	s25 =	simm.s32 $0x1A580  }
0xb: {  	s29 =	simm.s32 $0x1A600;
	s23 =	simm.s32 $0x1A700;
	s28 =	simm.s32 $0x1A780  }
0xc: {  	s4 =	smul.u32 $0xC80, s13;
	s5 =	sand.u32 $0x1, s5;
	[smem:$0x7FF] =	sst s8  }
0xd: {  	s31 =	sshll.u32 s13, $0x6;
	s5 =	ssub.s32 $0x2, s5;
	_ =	strace $0x80000047  }
0xe: {  	s17 =	sor.u32 $0x1C01, s31;
	s11 =	sshrl.u32 s4, $0x3;
	s9 =	sshrl.u32 s5, $0x1  }
0xf: {  	s12 =	sadd.s32 s4, s6;
	s4 =	sadd.s32 s4, s7;
	s3 =	sadd.s32 s11, s3  }
0x10: {  	s5 =	ssub.s32 s5, s9;
	s9 =	sadd.s32 s10, s11;
	s10 =	smul.u32 $0xC800, s13  }
0x11: {  	s2 =	sadd.s32 s2, s11;
	s18 =	sshrl.u32 s12, $0x3;
	s19 =	sshrl.u32 s4, $0x3  }
0x12: {  	s11 =	simm.s32 $0x1A380;
	s12 =	simm.s32 $0x1A400;
	s13 =	simm.s32 $0x1A480  }
0x13: {  	s4 =	simm.s32 $0x1A800;
	[dreg:$0x9] =	wrdreg s2;
	s26 =	sadd.s32 $0xA00, s3  }
0x14: {  	s30 =	smax.u32 s5, $0x1;
	s5 =	simm.s32 $0x1A680;
	[dreg:$0xa] =	wrdreg s26  }
0x15: {  	v0 =	vimm.f32 $1.000000000e+00;
	s2 =	simm.s32 $0x0;
	[dreg:$0xb] =	wrdreg s30;
	s26 =	simm.s32 $0x1A880  }
.LBB2_1:
0x16: {  	s3 =	rddreg [dreg:$0x3]  }
0x17: {  	[tilespmem:s8], [sflag:$0x1] =	stream.linear.gather [hbm4b:s3+s8], $0xC800, $0x38;
	[tilespmem:$0x1C200] =	vst v63  }
0x18: {  	_ =	swait.ge [sflag:s14], $0xC800  }
0x19: {  	[sflag:s14] =	ssyncset.done $0x0  }
0x1a: {  	[sflag:s14] =	ssyncadd.s32 $0xFFFF3800  }
0x1b: {  	[tilespmem:s15], [sflag:$0x1] =	stream.linear.gather [hbm4b:s3+s8], $0xC800, $0x38;
	[tilespmem:$0x1C200] =	vst v63  }
0x1c: {  	_ =	swait.ge [sflag:s14], $0xC800  }
0x1d: {  	[sflag:s14] =	ssyncset.done $0x0  }
0x1e: {  	[sflag:s14] =	ssyncadd.s32 $0xFFFF3800  }
0x1f: {  	s31 =	rddreg [dreg:$0x2]  }
0x20: {  	[tilespmem:s16], [sflag:$0x1] =	stream.linear.gather [hbm4b:s31+s8], $0xC80, $0x38;
	[tilespmem:$0x1C200] =	vst v63  }
0x21: {  	_ =	swait.ge [sflag:s14], $0xC80  }
0x22: {  	[sflag:s14] =	ssyncset.done $0x0  }
0x23: {  	[sflag:s14] =	ssyncadd.s32 $0xFFFFF380  }
0x24: {  	[spmem:s18], [sflag:s17] =	dma.local [hbm:s9], $0x190  }
0x25: {  	_ =	swait.ge [sflag:s14], $0x190  }
0x26: {  	[sflag:s14] =	ssyncset.done $0x0  }
0x27: {  	[sflag:s14] =	ssyncadd.s32 $0xFFFFFE70  }
0x28: {  	[spmem:s19], [sflag:s17] =	dma.local [hbm:s9], $0x190  }
0x29: {  	_ =	swait.ge [sflag:s14], $0x190  }
0x2a: {  	[sflag:s14] =	ssyncset.done $0x0  }
0x2b: {  	s24 =	simm.s32 $0x0;
	[sflag:s14] =	ssyncadd.s32 $0xFFFFFE70  }
.LBB2_2:
0x2c: {  	s3 =	smul.u32 $0xC80, s24;
	_ =	sdelay $0x1  }
0x2d: {  	s3 =	sadd.s32 s10, s3  }
0x2e: {  	s3 =	sshrl.u32 s3, $0x3  }
0x2f: {  	s30 =	simm.s32 $0x0;
	s3 =	sadd.s32 s0, s3  }
0x30: {  	[tilespmem:s20], [sflag:$0x1] =	stream.linear.gather [hbm4b:s3+s30], $0xC80, $0x38;
	[tilespmem:$0x1C200] =	vst v63  }
0x31: {  	_ =	swait.ge [sflag:s14], $0xC80  }
0x32: {  	[sflag:s14] =	ssyncset.done $0x0  }
0x33: {  	s31 =	simm.s32 $0x40;
	s30 =	simm.s32 $0x0;
	[sflag:s14] =	ssyncadd.s32 $0xFFFFF380  }
.LBB2_3:
0x34: {  	p0 =	sne.s32 s31, $0x31C0;
	v1 =	vld [tilespmem:s30+$0x19000];
	_ =	sdelay $0x3  }
.Ltmp0:
0x35: {  	(pc) =	sbr.rel @p0 .LBB2_3-.Ltmp0, $2  }
0x36: {  	_ =	sdelay $0x2  }
0x37: {  	s30 =	sshra.s32 s31, $0x2;
	s31 =	sadd.s32 $0x40, s31;
	[tilespmem:v1+s8+$0x0] =	vst.idx.add.f32.msk $0xffff, v0  }
0x38: {  	v1 =	vld [tilespmem:s30+$0x19000];
	_ =	sdelay $0x1  }
0x39: {  	s24 =	sadd.s32 $0x1, s24  }
0x3a: {  	p0 =	sne.s32 s24, $0x10  }
.Ltmp1:
0x3b: {  	_ = 	snop;
	(pc) =	sbr.rel @p0 .LBB2_2-.Ltmp1, $2  }
0x3c: {  	_ =	sdelay $0x2  }
0x3d: {  	s31 =	simm.s32 $0x0;
	[tilespmem:v1+s8+$0x0] =	vst.idx.add.f32.msk $0xffff, v0  }
0x3e: {  	s24 =	simm.s32 $0x0  }
.LBB2_6:
0x3f: {  	s3 =	smul.u32 $0xC80, s24;
	_ =	sdelay $0x1  }
0x40: {  	s3 =	sadd.s32 s10, s3  }
0x41: {  	s3 =	sshrl.u32 s3, $0x3  }
0x42: {  	s3 =	sadd.s32 s1, s3  }
0x43: {  	[tilespmem:s20], [sflag:$0x1] =	stream.linear.gather [hbm4b:s3+s31], $0xC80, $0x38;
	[tilespmem:$0x1C200] =	vst v63  }
0x44: {  	_ =	swait.ge [sflag:s14], $0xC80  }
0x45: {  	[sflag:s14] =	ssyncset.done $0x0  }
0x46: {  	s30 =	simm.s32 $0x40;
	s3 =	simm.s32 $0x0;
	[sflag:s14] =	ssyncadd.s32 $0xFFFFF380  }
.LBB2_7:
0x47: {  	p0 =	sne.s32 s30, $0x31C0;
	v1 =	vld [tilespmem:s3+$0x19000];
	_ =	sdelay $0x3  }
.Ltmp2:
0x48: {  	(pc) =	sbr.rel @p0 .LBB2_7-.Ltmp2, $2  }
0x49: {  	_ =	sdelay $0x2  }
0x4a: {  	s3 =	sshra.s32 s30, $0x2;
	s30 =	sadd.s32 $0x40, s30;
	[tilespmem:v1+s15+$0x0] =	vst.idx.add.f32.msk $0xffff, v0  }
0x4b: {  	v1 =	vld [tilespmem:s3+$0x19000];
	_ =	sdelay $0x1  }
0x4c: {  	s24 =	sadd.s32 $0x1, s24  }
0x4d: {  	p0 =	sne.s32 s24, $0x10  }
.Ltmp3:
0x4e: {  	_ = 	snop;
	(pc) =	sbr.rel @p0 .LBB2_6-.Ltmp3, $2  }
0x4f: {  	_ =	sdelay $0x2  }
0x50: {  	[tilespmem:v1+s15+$0x0] =	vst.idx.add.f32.msk $0xffff, v0  }
0x51: {  	[bflag:$0x0] =	sbarrier.arrive $0xFFFF  }
0x52: {  	[spmem:s6] =	stream.indirect.scatter.add.f32 [tilespmem:s8], [sflag:$0x1], $0x10, s16, s21, $0xb8;
	[tilespmem:$0x1C200] =	vst v63  }
0x53: {  	_ =	swait.ge [sflag:s14], $0x800  }
0x54: {  	[sflag:s14] =	ssyncset.done $0x0  }
0x55: {  	[sflag:s14] =	ssyncadd.s32 $0xFFFFF800  }
0x56: {  	[spmem:s7] =	stream.indirect.scatter.add.f32 [tilespmem:s15], [sflag:$0x1], $0x10, s16, s21, $0xb8;
	[tilespmem:$0x1C200] =	vst v63  }
0x57: {  	_ =	swait.ge [sflag:s14], $0x800  }
0x58: {  	[sflag:s14] =	ssyncset.done $0x0  }
0x59: {  	s3 =	simm.s32 $0x19D00;
	s24 =	simm.s32 $0x800;
	[sflag:s14] =	ssyncadd.s32 $0xFFFFF800  }
0x5a: {  	[spmem:s6] =	stream.indirect.scatter.add.f32 [tilespmem:s24], [sflag:$0x1], $0x10, s3, s21, $0xb8;
	[tilespmem:$0x1C200] =	vst v63  }
0x5b: {  	_ =	swait.ge [sflag:s14], $0x800  }
0x5c: {  	[sflag:s14] =	ssyncset.done $0x0  }
0x5d: {  	s30 =	simm.s32 $0xD000;
	[sflag:s14] =	ssyncadd.s32 $0xFFFFF800  }
0x5e: {  	[spmem:s7] =	stream.indirect.scatter.add.f32 [tilespmem:s30], [sflag:$0x1], $0x10, s3, s21, $0xb8;
	[tilespmem:$0x1C200] =	vst v63  }
0x5f: {  	_ =	swait.ge [sflag:s14], $0x800  }
0x60: {  	[sflag:s14] =	ssyncset.done $0x0  }
0x61: {  	s31 =	simm.s32 $0x1000;
	s3 =	simm.s32 $0x19D80;
	[sflag:s14] =	ssyncadd.s32 $0xFFFFF800  }
0x62: {  	[spmem:s6] =	stream.indirect.scatter.add.f32 [tilespmem:s31], [sflag:$0x1], $0x10, s3, s21, $0xb8;
	[tilespmem:$0x1C200] =	vst v63  }
0x63: {  	_ =	swait.ge [sflag:s14], $0x800  }
0x64: {  	[sflag:s14] =	ssyncset.done $0x0  }
0x65: {  	s30 =	simm.s32 $0xD800;
	[sflag:s14] =	ssyncadd.s32 $0xFFFFF800  }
0x66: {  	[spmem:s7] =	stream.indirect.scatter.add.f32 [tilespmem:s30], [sflag:$0x1], $0x10, s3, s21, $0xb8;
	[tilespmem:$0x1C200] =	vst v63  }
0x67: {  	_ =	swait.ge [sflag:s14], $0x800  }
0x68: {  	[sflag:s14] =	ssyncset.done $0x0  }
0x69: {  	s31 =	simm.s32 $0x1800;
	s3 =	simm.s32 $0x19E00;
	[sflag:s14] =	ssyncadd.s32 $0xFFFFF800  }
0x6a: {  	[spmem:s6] =	stream.indirect.scatter.add.f32 [tilespmem:s31], [sflag:$0x1], $0x10, s3, s21, $0xb8;
	[tilespmem:$0x1C200] =	vst v63  }
0x6b: {  	_ =	swait.ge [sflag:s14], $0x800  }
0x6c: {  	[sflag:s14] =	ssyncset.done $0x0  }
0x6d: {  	s30 =	simm.s32 $0xE000;
	[sflag:s14] =	ssyncadd.s32 $0xFFFFF800  }
0x6e: {  	[spmem:s7] =	stream.indirect.scatter.add.f32 [tilespmem:s30], [sflag:$0x1], $0x10, s3, s21, $0xb8;
	[tilespmem:$0x1C200] =	vst v63  }
0x6f: {  	_ =	swait.ge [sflag:s14], $0x800  }
0x70: {  	[sflag:s14] =	ssyncset.done $0x0  }
0x71: {  	s31 =	simm.s32 $0x2000;
	s3 =	simm.s32 $0x19E80;
	[sflag:s14] =	ssyncadd.s32 $0xFFFFF800  }
0x72: {  	[spmem:s6] =	stream.indirect.scatter.add.f32 [tilespmem:s31], [sflag:$0x1], $0x10, s3, s21, $0xb8;
	[tilespmem:$0x1C200] =	vst v63  }
0x73: {  	_ =	swait.ge [sflag:s14], $0x800  }
0x74: {  	[sflag:s14] =	ssyncset.done $0x0  }
0x75: {  	s30 =	simm.s32 $0xE800;
	[sflag:s14] =	ssyncadd.s32 $0xFFFFF800  }
0x76: {  	[spmem:s7] =	stream.indirect.scatter.add.f32 [tilespmem:s30], [sflag:$0x1], $0x10, s3, s21, $0xb8;
	[tilespmem:$0x1C200] =	vst v63  }
0x77: {  	_ =	swait.ge [sflag:s14], $0x800  }
0x78: {  	[sflag:s14] =	ssyncset.done $0x0  }
0x79: {  	s31 =	simm.s32 $0x2800;
	s3 =	simm.s32 $0x19F00;
	[sflag:s14] =	ssyncadd.s32 $0xFFFFF800  }
0x7a: {  	[spmem:s6] =	stream.indirect.scatter.add.f32 [tilespmem:s31], [sflag:$0x1], $0x10, s3, s21, $0xb8;
	[tilespmem:$0x1C200] =	vst v63  }
0x7b: {  	_ =	swait.ge [sflag:s14], $0x800  }
0x7c: {  	[sflag:s14] =	ssyncset.done $0x0  }
0x7d: {  	s30 =	simm.s32 $0xF000;
	[sflag:s14] =	ssyncadd.s32 $0xFFFFF800  }
0x7e: {  	[spmem:s7] =	stream.indirect.scatter.add.f32 [tilespmem:s30], [sflag:$0x1], $0x10, s3, s21, $0xb8;
	[tilespmem:$0x1C200] =	vst v63  }
0x7f: {  	_ =	swait.ge [sflag:s14], $0x800  }
0x80: {  	[sflag:s14] =	ssyncset.done $0x0  }
0x81: {  	s31 =	simm.s32 $0x3000;
	s3 =	simm.s32 $0x19F80;
	[sflag:s14] =	ssyncadd.s32 $0xFFFFF800  }
0x82: {  	[spmem:s6] =	stream.indirect.scatter.add.f32 [tilespmem:s31], [sflag:$0x1], $0x10, s3, s21, $0xb8;
	[tilespmem:$0x1C200] =	vst v63  }
0x83: {  	_ =	swait.ge [sflag:s14], $0x800  }
0x84: {  	[sflag:s14] =	ssyncset.done $0x0  }
0x85: {  	s30 =	simm.s32 $0xF800;
	[sflag:s14] =	ssyncadd.s32 $0xFFFFF800  }
0x86: {  	[spmem:s7] =	stream.indirect.scatter.add.f32 [tilespmem:s30], [sflag:$0x1], $0x10, s3, s21, $0xb8;
	[tilespmem:$0x1C200] =	vst v63  }
0x87: {  	_ =	swait.ge [sflag:s14], $0x800  }
0x88: {  	[sflag:s14] =	ssyncset.done $0x0  }
0x89: {  	s31 =	simm.s32 $0x3800;
	s3 =	simm.s32 $0x1A000;
	[sflag:s14] =	ssyncadd.s32 $0xFFFFF800  }
0x8a: {  	[spmem:s6] =	stream.indirect.scatter.add.f32 [tilespmem:s31], [sflag:$0x1], $0x10, s3, s21, $0xb8;
	[tilespmem:$0x1C200] =	vst v63  }
0x8b: {  	_ =	swait.ge [sflag:s14], $0x800  }
0x8c: {  	[sflag:s14] =	ssyncset.done $0x0  }
0x8d: {  	s30 =	simm.s32 $0x10000;
	[sflag:s14] =	ssyncadd.s32 $0xFFFFF800  }
0x8e: {  	[spmem:s7] =	stream.indirect.scatter.add.f32 [tilespmem:s30], [sflag:$0x1], $0x10, s3, s21, $0xb8;
	[tilespmem:$0x1C200] =	vst v63  }
0x8f: {  	_ =	swait.ge [sflag:s14], $0x800  }
0x90: {  	[sflag:s14] =	ssyncset.done $0x0  }
0x91: {  	s31 =	simm.s32 $0x4000;
	s3 =	simm.s32 $0x1A080;
	[sflag:s14] =	ssyncadd.s32 $0xFFFFF800  }
0x92: {  	[spmem:s6] =	stream.indirect.scatter.add.f32 [tilespmem:s31], [sflag:$0x1], $0x10, s3, s21, $0xb8;
	[tilespmem:$0x1C200] =	vst v63  }
0x93: {  	_ =	swait.ge [sflag:s14], $0x800  }
0x94: {  	[sflag:s14] =	ssyncset.done $0x0  }
0x95: {  	s30 =	simm.s32 $0x10800;
	[sflag:s14] =	ssyncadd.s32 $0xFFFFF800  }
0x96: {  	[spmem:s7] =	stream.indirect.scatter.add.f32 [tilespmem:s30], [sflag:$0x1], $0x10, s3, s21, $0xb8;
	[tilespmem:$0x1C200] =	vst v63  }
0x97: {  	_ =	swait.ge [sflag:s14], $0x800  }
0x98: {  	[sflag:s14] =	ssyncset.done $0x0  }
0x99: {  	s31 =	simm.s32 $0x4800;
	s3 =	simm.s32 $0x1A100;
	[sflag:s14] =	ssyncadd.s32 $0xFFFFF800  }
0x9a: {  	[spmem:s6] =	stream.indirect.scatter.add.f32 [tilespmem:s31], [sflag:$0x1], $0x10, s3, s21, $0xb8;
	[tilespmem:$0x1C200] =	vst v63  }
0x9b: {  	_ =	swait.ge [sflag:s14], $0x800  }
0x9c: {  	[sflag:s14] =	ssyncset.done $0x0  }
0x9d: {  	s30 =	simm.s32 $0x11000;
	[sflag:s14] =	ssyncadd.s32 $0xFFFFF800  }
0x9e: {  	[spmem:s7] =	stream.indirect.scatter.add.f32 [tilespmem:s30], [sflag:$0x1], $0x10, s3, s21, $0xb8;
	[tilespmem:$0x1C200] =	vst v63  }
0x9f: {  	_ =	swait.ge [sflag:s14], $0x800  }
0xa0: {  	[sflag:s14] =	ssyncset.done $0x0  }
0xa1: {  	s31 =	simm.s32 $0x5000;
	s3 =	simm.s32 $0x1A180;
	[sflag:s14] =	ssyncadd.s32 $0xFFFFF800  }
0xa2: {  	[spmem:s6] =	stream.indirect.scatter.add.f32 [tilespmem:s31], [sflag:$0x1], $0x10, s3, s21, $0xb8;
	[tilespmem:$0x1C200] =	vst v63  }
0xa3: {  	_ =	swait.ge [sflag:s14], $0x800  }
0xa4: {  	[sflag:s14] =	ssyncset.done $0x0  }
0xa5: {  	s30 =	simm.s32 $0x11800;
	[sflag:s14] =	ssyncadd.s32 $0xFFFFF800  }
0xa6: {  	[spmem:s7] =	stream.indirect.scatter.add.f32 [tilespmem:s30], [sflag:$0x1], $0x10, s3, s21, $0xb8;
	[tilespmem:$0x1C200] =	vst v63  }
0xa7: {  	_ =	swait.ge [sflag:s14], $0x800  }
0xa8: {  	[sflag:s14] =	ssyncset.done $0x0  }
0xa9: {  	s31 =	simm.s32 $0x5800;
	s3 =	simm.s32 $0x1A200;
	[sflag:s14] =	ssyncadd.s32 $0xFFFFF800  }
0xaa: {  	[spmem:s6] =	stream.indirect.scatter.add.f32 [tilespmem:s31], [sflag:$0x1], $0x10, s3, s21, $0xb8;
	[tilespmem:$0x1C200] =	vst v63  }
0xab: {  	_ =	swait.ge [sflag:s14], $0x800  }
0xac: {  	[sflag:s14] =	ssyncset.done $0x0  }
0xad: {  	s30 =	simm.s32 $0x12000;
	[sflag:s14] =	ssyncadd.s32 $0xFFFFF800  }
0xae: {  	[spmem:s7] =	stream.indirect.scatter.add.f32 [tilespmem:s30], [sflag:$0x1], $0x10, s3, s21, $0xb8;
	[tilespmem:$0x1C200] =	vst v63  }
0xaf: {  	_ =	swait.ge [sflag:s14], $0x800  }
0xb0: {  	[sflag:s14] =	ssyncset.done $0x0  }
0xb1: {  	s31 =	simm.s32 $0x6000;
	s3 =	simm.s32 $0x1A280;
	[sflag:s14] =	ssyncadd.s32 $0xFFFFF800  }
0xb2: {  	[spmem:s6] =	stream.indirect.scatter.add.f32 [tilespmem:s31], [sflag:$0x1], $0x10, s3, s21, $0xb8;
	[tilespmem:$0x1C200] =	vst v63  }
0xb3: {  	_ =	swait.ge [sflag:s14], $0x800  }
0xb4: {  	[sflag:s14] =	ssyncset.done $0x0  }
0xb5: {  	s30 =	simm.s32 $0x12800;
	[sflag:s14] =	ssyncadd.s32 $0xFFFFF800  }
0xb6: {  	[spmem:s7] =	stream.indirect.scatter.add.f32 [tilespmem:s30], [sflag:$0x1], $0x10, s3, s21, $0xb8;
	[tilespmem:$0x1C200] =	vst v63  }
0xb7: {  	_ =	swait.ge [sflag:s14], $0x800  }
0xb8: {  	[sflag:s14] =	ssyncset.done $0x0  }
0xb9: {  	s31 =	simm.s32 $0x6800;
	s3 =	simm.s32 $0x1A300;
	[sflag:s14] =	ssyncadd.s32 $0xFFFFF800  }
0xba: {  	[spmem:s6] =	stream.indirect.scatter.add.f32 [tilespmem:s31], [sflag:$0x1], $0x10, s3, s21, $0xb8;
	[tilespmem:$0x1C200] =	vst v63  }
0xbb: {  	_ =	swait.ge [sflag:s14], $0x800  }
0xbc: {  	[sflag:s14] =	ssyncset.done $0x0  }
0xbd: {  	s30 =	simm.s32 $0x13000;
	[sflag:s14] =	ssyncadd.s32 $0xFFFFF800  }
0xbe: {  	[spmem:s7] =	stream.indirect.scatter.add.f32 [tilespmem:s30], [sflag:$0x1], $0x10, s3, s21, $0xb8;
	[tilespmem:$0x1C200] =	vst v63  }
0xbf: {  	_ =	swait.ge [sflag:s14], $0x800  }
0xc0: {  	[sflag:s14] =	ssyncset.done $0x0  }
0xc1: {  	s31 =	simm.s32 $0x7000;
	[sflag:s14] =	ssyncadd.s32 $0xFFFFF800  }
0xc2: {  	[spmem:s6] =	stream.indirect.scatter.add.f32 [tilespmem:s31], [sflag:$0x1], $0x10, s11, s21, $0xb8;
	[tilespmem:$0x1C200] =	vst v63  }
0xc3: {  	_ =	swait.ge [sflag:s14], $0x800  }
0xc4: {  	[sflag:s14] =	ssyncset.done $0x0  }
0xc5: {  	s24 =	simm.s32 $0x13800;
	[sflag:s14] =	ssyncadd.s32 $0xFFFFF800  }
0xc6: {  	[spmem:s7] =	stream.indirect.scatter.add.f32 [tilespmem:s24], [sflag:$0x1], $0x10, s11, s21, $0xb8;
	[tilespmem:$0x1C200] =	vst v63  }
0xc7: {  	_ =	swait.ge [sflag:s14], $0x800  }
0xc8: {  	[sflag:s14] =	ssyncset.done $0x0  }
0xc9: {  	s30 =	simm.s32 $0x7800;
	[sflag:s14] =	ssyncadd.s32 $0xFFFFF800  }
0xca: {  	[spmem:s6] =	stream.indirect.scatter.add.f32 [tilespmem:s30], [sflag:$0x1], $0x10, s12, s21, $0xb8;
	[tilespmem:$0x1C200] =	vst v63  }
0xcb: {  	_ =	swait.ge [sflag:s14], $0x800  }
0xcc: {  	[sflag:s14] =	ssyncset.done $0x0  }
0xcd: {  	s31 =	simm.s32 $0x14000;
	[sflag:s14] =	ssyncadd.s32 $0xFFFFF800  }
0xce: {  	[spmem:s7] =	stream.indirect.scatter.add.f32 [tilespmem:s31], [sflag:$0x1], $0x10, s12, s21, $0xb8;
	[tilespmem:$0x1C200] =	vst v63  }
0xcf: {  	_ =	swait.ge [sflag:s14], $0x800  }
0xd0: {  	[sflag:s14] =	ssyncset.done $0x0  }
0xd1: {  	s24 =	simm.s32 $0x8000;
	[sflag:s14] =	ssyncadd.s32 $0xFFFFF800  }
0xd2: {  	[spmem:s6] =	stream.indirect.scatter.add.f32 [tilespmem:s24], [sflag:$0x1], $0x10, s13, s21, $0xb8;
	[tilespmem:$0x1C200] =	vst v63  }
0xd3: {  	_ =	swait.ge [sflag:s14], $0x800  }
0xd4: {  	[sflag:s14] =	ssyncset.done $0x0  }
0xd5: {  	s30 =	simm.s32 $0x14800;
	[sflag:s14] =	ssyncadd.s32 $0xFFFFF800  }
0xd6: {  	[spmem:s7] =	stream.indirect.scatter.add.f32 [tilespmem:s30], [sflag:$0x1], $0x10, s13, s21, $0xb8;
	[tilespmem:$0x1C200] =	vst v63  }
0xd7: {  	_ =	swait.ge [sflag:s14], $0x800  }
0xd8: {  	[sflag:s14] =	ssyncset.done $0x0  }
0xd9: {  	s31 =	simm.s32 $0x8800;
	[sflag:s14] =	ssyncadd.s32 $0xFFFFF800  }
0xda: {  	[spmem:s6] =	stream.indirect.scatter.add.f32 [tilespmem:s31], [sflag:$0x1], $0x10, s22, s21, $0xb8;
	[tilespmem:$0x1C200] =	vst v63  }
0xdb: {  	_ =	swait.ge [sflag:s14], $0x800  }
0xdc: {  	[sflag:s14] =	ssyncset.done $0x0  }
0xdd: {  	s24 =	simm.s32 $0x15000;
	[sflag:s14] =	ssyncadd.s32 $0xFFFFF800  }
0xde: {  	[spmem:s7] =	stream.indirect.scatter.add.f32 [tilespmem:s24], [sflag:$0x1], $0x10, s22, s21, $0xb8;
	[tilespmem:$0x1C200] =	vst v63  }
0xdf: {  	_ =	swait.ge [sflag:s14], $0x800  }
0xe0: {  	[sflag:s14] =	ssyncset.done $0x0  }
0xe1: {  	s30 =	simm.s32 $0x9000;
	[sflag:s14] =	ssyncadd.s32 $0xFFFFF800  }
0xe2: {  	[spmem:s6] =	stream.indirect.scatter.add.f32 [tilespmem:s30], [sflag:$0x1], $0x10, s25, s21, $0xb8;
	[tilespmem:$0x1C200] =	vst v63  }
0xe3: {  	_ =	swait.ge [sflag:s14], $0x800  }
0xe4: {  	[sflag:s14] =	ssyncset.done $0x0  }
0xe5: {  	s31 =	simm.s32 $0x15800;
	[sflag:s14] =	ssyncadd.s32 $0xFFFFF800  }
0xe6: {  	[spmem:s7] =	stream.indirect.scatter.add.f32 [tilespmem:s31], [sflag:$0x1], $0x10, s25, s21, $0xb8;
	[tilespmem:$0x1C200] =	vst v63  }
0xe7: {  	_ =	swait.ge [sflag:s14], $0x800  }
0xe8: {  	[sflag:s14] =	ssyncset.done $0x0  }
0xe9: {  	s24 =	simm.s32 $0x9800;
	[sflag:s14] =	ssyncadd.s32 $0xFFFFF800  }
0xea: {  	[spmem:s6] =	stream.indirect.scatter.add.f32 [tilespmem:s24], [sflag:$0x1], $0x10, s29, s21, $0xb8;
	[tilespmem:$0x1C200] =	vst v63  }
0xeb: {  	_ =	swait.ge [sflag:s14], $0x800  }
0xec: {  	[sflag:s14] =	ssyncset.done $0x0  }
0xed: {  	s30 =	simm.s32 $0x16000;
	[sflag:s14] =	ssyncadd.s32 $0xFFFFF800  }
0xee: {  	[spmem:s7] =	stream.indirect.scatter.add.f32 [tilespmem:s30], [sflag:$0x1], $0x10, s29, s21, $0xb8;
	[tilespmem:$0x1C200] =	vst v63  }
0xef: {  	_ =	swait.ge [sflag:s14], $0x800  }
0xf0: {  	[sflag:s14] =	ssyncset.done $0x0  }
0xf1: {  	s31 =	simm.s32 $0xA000;
	[sflag:s14] =	ssyncadd.s32 $0xFFFFF800  }
0xf2: {  	[spmem:s6] =	stream.indirect.scatter.add.f32 [tilespmem:s31], [sflag:$0x1], $0x10, s5, s21, $0xb8;
	[tilespmem:$0x1C200] =	vst v63  }
0xf3: {  	_ =	swait.ge [sflag:s14], $0x800  }
0xf4: {  	[sflag:s14] =	ssyncset.done $0x0  }
0xf5: {  	s24 =	simm.s32 $0x16800;
	[sflag:s14] =	ssyncadd.s32 $0xFFFFF800  }
0xf6: {  	[spmem:s7] =	stream.indirect.scatter.add.f32 [tilespmem:s24], [sflag:$0x1], $0x10, s5, s21, $0xb8;
	[tilespmem:$0x1C200] =	vst v63  }
0xf7: {  	_ =	swait.ge [sflag:s14], $0x800  }
0xf8: {  	[sflag:s14] =	ssyncset.done $0x0  }
0xf9: {  	s30 =	simm.s32 $0xA800;
	[sflag:s14] =	ssyncadd.s32 $0xFFFFF800  }
0xfa: {  	[spmem:s6] =	stream.indirect.scatter.add.f32 [tilespmem:s30], [sflag:$0x1], $0x10, s23, s21, $0xb8;
	[tilespmem:$0x1C200] =	vst v63  }
0xfb: {  	_ =	swait.ge [sflag:s14], $0x800  }
0xfc: {  	[sflag:s14] =	ssyncset.done $0x0  }
0xfd: {  	s31 =	simm.s32 $0x17000;
	[sflag:s14] =	ssyncadd.s32 $0xFFFFF800  }
0xfe: {  	[spmem:s7] =	stream.indirect.scatter.add.f32 [tilespmem:s31], [sflag:$0x1], $0x10, s23, s21, $0xb8;
	[tilespmem:$0x1C200] =	vst v63  }
0xff: {  	_ =	swait.ge [sflag:s14], $0x800  }
0x100: {  	[sflag:s14] =	ssyncset.done $0x0  }
0x101: {  	s24 =	simm.s32 $0xB000;
	[sflag:s14] =	ssyncadd.s32 $0xFFFFF800  }
0x102: {  	[spmem:s6] =	stream.indirect.scatter.add.f32 [tilespmem:s24], [sflag:$0x1], $0x10, s28, s21, $0xb8;
	[tilespmem:$0x1C200] =	vst v63  }
0x103: {  	_ =	swait.ge [sflag:s14], $0x800  }
0x104: {  	[sflag:s14] =	ssyncset.done $0x0  }
0x105: {  	s30 =	simm.s32 $0x17800;
	[sflag:s14] =	ssyncadd.s32 $0xFFFFF800  }
0x106: {  	[spmem:s7] =	stream.indirect.scatter.add.f32 [tilespmem:s30], [sflag:$0x1], $0x10, s28, s21, $0xb8;
	[tilespmem:$0x1C200] =	vst v63  }
0x107: {  	_ =	swait.ge [sflag:s14], $0x800  }
0x108: {  	[sflag:s14] =	ssyncset.done $0x0  }
0x109: {  	s31 =	simm.s32 $0xB800;
	[sflag:s14] =	ssyncadd.s32 $0xFFFFF800  }
0x10a: {  	[spmem:s6] =	stream.indirect.scatter.add.f32 [tilespmem:s31], [sflag:$0x1], $0x10, s4, s21, $0xb8;
	[tilespmem:$0x1C200] =	vst v63  }
0x10b: {  	_ =	swait.ge [sflag:s14], $0x800  }
0x10c: {  	[sflag:s14] =	ssyncset.done $0x0  }
0x10d: {  	s24 =	simm.s32 $0x18000;
	[sflag:s14] =	ssyncadd.s32 $0xFFFFF800  }
0x10e: {  	[spmem:s7] =	stream.indirect.scatter.add.f32 [tilespmem:s24], [sflag:$0x1], $0x10, s4, s21, $0xb8;
	[tilespmem:$0x1C200] =	vst v63  }
0x10f: {  	_ =	swait.ge [sflag:s14], $0x800  }
0x110: {  	[sflag:s14] =	ssyncset.done $0x0  }
0x111: {  	s30 =	simm.s32 $0xC000;
	[sflag:s14] =	ssyncadd.s32 $0xFFFFF800  }
0x112: {  	[spmem:s6] =	stream.indirect.scatter.add.f32 [tilespmem:s30], [sflag:$0x1], $0x10, s26, s21, $0xb8;
	[tilespmem:$0x1C200] =	vst v63  }
0x113: {  	_ =	swait.ge [sflag:s14], $0x800  }
0x114: {  	[sflag:s14] =	ssyncset.done $0x0  }
0x115: {  	s31 =	simm.s32 $0x18800;
	[sflag:s14] =	ssyncadd.s32 $0xFFFFF800  }
0x116: {  	[spmem:s7] =	stream.indirect.scatter.add.f32 [tilespmem:s31], [sflag:$0x1], $0x10, s26, s21, $0xb8;
	[tilespmem:$0x1C200] =	vst v63  }
0x117: {  	_ =	swait.ge [sflag:s14], $0x800  }
0x118: {  	[sflag:s14] =	ssyncset.done $0x0  }
0x119: {  	[sflag:s14] =	ssyncadd.s32 $0xFFFFF800  }
0x11a: {  	[bflag:$0x0] =	sbarrier.arrive $0xFFFF  }
0x11b: {  	s24 =	rddreg [dreg:$0x9]  }
0x11c: {  	[hbm:s24], [sflag:s17] =	dma.local [spmem:s18], $0x190  }
0x11d: {  	_ =	swait.ge [sflag:s14], $0x190  }
0x11e: {  	[sflag:s14] =	ssyncset.done $0x0  }
0x11f: {  	s30 =	rddreg [dreg:$0xa];
	[sflag:s14] =	ssyncadd.s32 $0xFFFFFE70  }
0x120: {  	[hbm:s30], [sflag:s17] =	dma.local [spmem:s19], $0x190  }
0x121: {  	_ =	swait.ge [sflag:s14], $0x190  }
0x122: {  	s2 =	sadd.s32 $0x1, s2;
	s31 =	rddreg [dreg:$0xb]  }
0x123: {  	p0 =	sne.s32 s2, s31  }
.Ltmp4:
0x124: {  	_ = 	snop;
	(pc) =	sbr.rel @p0 .LBB2_1-.Ltmp4, $3  }
0x125: {  	_ =	sdelay $0x1  }
0x126: {  	[sflag:s14] =	ssyncset.done $0x0  }
0x127: {  	[sflag:s14] =	ssyncadd.s32 $0xFFFFFE70  }
0x128: {  	_ =	sfence.sel $0x180000  }
0x129: {  	[bflag:$0x0] =	sbarrier.arrive $0xFFFF  }
0x12a: {  	_ =	strace $0x90000047  }
0x12b: {  	s0 =	stileid.u32;
	[bflag:$0x2] =	sbarrier.arrive $0xFFFF  }
0x12c: {  	p0 =	sne.s32 s0, $0x0;
	s0 =	rddreg [dreg:$0x8]  }
0x12d: {  	s0 =	sadd.s32 @!p0 $0x100000, s0  }
0x12e: {  	[sflag:s0] =	ssyncadd.tile.s32 @!p0 $0x1;
	_ =	shalt  }
.Lfunc_end2:
_tile_overlayer_lowered:
.L_overlay_start_2:
0x12f: {  	(tag) =	ssettag $0x2  }
0x130: {  	s0 =	rddreg [dreg:$0x0];
	s2 =	stileid.u32  }
0x131: {  	s1 =	rddreg [dreg:$0x1];
	p0 =	sne.s32 s2, $0x0  }
0x132: {  	s3 =	rddreg [dreg:$0x2];
	[bflag:$0x3] =	sbarrier.arrive $0xFFFF;
	s2 =	simm.s32 @!p0 $0x1C01  }
0x133: {  	[timem:s3], [sflag:s2] =	dma.local @!p0 [hbm:s0], s1  }
0x134: {  	s0 =	simm.s32 @!p0 $0x1  }
0x135: {  	_ =	swait.ge @!p0 [sflag:s0], s1  }
0x136: {  	s1 =	ssub.s32 @!p0 $0x0, s1;
	[sflag:s0] =	ssyncset.done @!p0 $0x0  }
0x137: {  	[sflag:s0] =	ssyncadd.s32 @!p0 s1  }
0x138: {  	[bflag:$0x3] =	sbarrier.arrive $0xFFFF  }
0x139: {  	_ =	shalt  }

</sc_bundles>
